<compile_context>
chip_gen: v7x
topology: tpu7x:2x2x1
jax: 0.10.2.dev20260603
libtpu: 0.0.44.dev20260713+nightly
codegen_flags: <defaults>
</compile_context>

<pallas_src>
import jax
import jax.numpy as jnp
from jax import lax
from jax.experimental import pallas as pl
from jax.experimental.pallas import tpu as pltpu
from jax.experimental.pallas import tpu_sc as plsc

N = 10000
E = 320000
D = 128
DH = D // 2
NC = 2
NS = 16
N_PAD = 10240
ROWS_N = N_PAD // NS
CH = 128
E_ROWS = 2560
E_PAD = E_ROWS * CH
ROWS_E_AGG = E_ROWS // NS
ROWS_E_DEG = E_ROWS // (NC * NS)
DEG_W = 8

_sc_mesh = plsc.VectorSubcoreMesh(core_axis_name="c", subcore_axis_name="s")


def _deg_body(dstr, ones_hbm, zeros_hbm, out, ones_v, dst_v, deg_sh):
    c = lax.axis_index("c")
    s = lax.axis_index("s")
    pltpu.sync_copy(zeros_hbm, deg_sh.at[pl.ds(s * ROWS_N, ROWS_N)])
    pltpu.sync_copy(ones_hbm, ones_v)
    wid = c * NS + s
    pltpu.sync_copy(dstr.at[pl.ds(wid * ROWS_E_DEG, ROWS_E_DEG)], dst_v)
    plsc.subcore_barrier()

    def body(j, carry):
        pltpu.sync_copy(ones_v, deg_sh.at[dst_v.at[j]], add=True)
        return carry

    lax.fori_loop(0, ROWS_E_DEG, body, 0)
    plsc.subcore_barrier()
    pltpu.sync_copy(deg_sh.at[pl.ds(s * ROWS_N, ROWS_N)],
                    out.at[c, pl.ds(s * ROWS_N, ROWS_N)])


_deg_kernel = pl.kernel(
    _deg_body,
    out_type=jax.ShapeDtypeStruct((NC, N_PAD, DEG_W), jnp.float32),
    mesh=_sc_mesh,
    scratch_types=[
        pltpu.VMEM((CH, DEG_W), jnp.float32),
        pltpu.VMEM((ROWS_E_DEG, CH), jnp.int32),
        pltpu.VMEM_SHARED((N_PAD, DEG_W), jnp.float32),
    ],
    compiler_params=pltpu.CompilerParams(use_tc_tiling_on_sc=False),
)


NBUF = 4


def _agg_body(y_hbm, srcr2, dstr, zeros_hbm, out, *scr):
    src_v, dst_v = scr[0], scr[1]
    bufs = scr[2:2 + NBUF]
    agg_sh = scr[2 + NBUF]
    gsems = scr[3 + NBUF:]
    c = lax.axis_index("c")
    s = lax.axis_index("s")
    pltpu.sync_copy(zeros_hbm, agg_sh.at[pl.ds(s * ROWS_N, ROWS_N)])
    pltpu.sync_copy(srcr2.at[c, pl.ds(s * ROWS_E_AGG, ROWS_E_AGG)], src_v)
    pltpu.sync_copy(dstr.at[pl.ds(s * ROWS_E_AGG, ROWS_E_AGG)], dst_v)

    def _wait(sem, b):
        pltpu.make_async_copy(y_hbm.at[pl.ds(0, CH)], bufs[b], sem).wait()

    for b in range(NBUF):
        pltpu.async_copy(y_hbm.at[src_v.at[b]], bufs[b], gsems[b])
    plsc.subcore_barrier()

    def body(i, carry):
        j0 = i * NBUF
        for b in range(NBUF):
            j = j0 + b
            _wait(gsems[b], b)
            pltpu.sync_copy(bufs[b], agg_sh.at[dst_v.at[j]], add=True)
            pltpu.async_copy(y_hbm.at[src_v.at[j + NBUF]], bufs[b], gsems[b])
        return carry

    lax.fori_loop(0, ROWS_E_AGG // NBUF - 1, body, 0)
    for b in range(NBUF):
        j = ROWS_E_AGG - NBUF + b
        _wait(gsems[b], b)
        pltpu.sync_copy(bufs[b], agg_sh.at[dst_v.at[j]], add=True)

    plsc.subcore_barrier()
    pltpu.sync_copy(agg_sh.at[pl.ds(s * ROWS_N, ROWS_N)],
                    out.at[c, pl.ds(s * ROWS_N, ROWS_N)])


_agg_kernel = pl.kernel(
    _agg_body,
    out_type=jax.ShapeDtypeStruct((NC, N_PAD, DH), jnp.float32),
    mesh=_sc_mesh,
    scratch_types=(
        [pltpu.VMEM((ROWS_E_AGG, CH), jnp.int32),
         pltpu.VMEM((ROWS_E_AGG, CH), jnp.int32)]
        + [pltpu.VMEM((CH, DH), jnp.float32)] * NBUF
        + [pltpu.VMEM_SHARED((N_PAD, DH), jnp.float32)]
        + [pltpu.SemaphoreType.DMA] * NBUF
    ),
    compiler_params=pltpu.CompilerParams(use_tc_tiling_on_sc=False),
)

BN = 1024
BN_E = 1000


def _rsqrt_deg(degp):
    return lax.rsqrt(degp[0, :, 0:1] + degp[1, :, 0:1] + 1.0)


def _y1_body(x_ref, w_ref, degp_ref, y_ref):
    d = _rsqrt_deg(degp_ref[...])
    xw = jnp.dot(x_ref[...], w_ref[...], preferred_element_type=jnp.float32)
    y = xw * d
    y_ref[0] = y[:, :DH]
    y_ref[1] = y[:, DH:]


_y1_call = pl.pallas_call(
    _y1_body,
    grid=(N_PAD // BN,),
    in_specs=[
        pl.BlockSpec((BN, D), lambda i: (i, 0)),
        pl.BlockSpec((D, D), lambda i: (0, 0)),
        pl.BlockSpec((NC, BN, DEG_W), lambda i: (0, i, 0)),
    ],
    out_specs=pl.BlockSpec((NC, BN, DH), lambda i: (0, i, 0)),
    out_shape=jax.ShapeDtypeStruct((NC, N_PAD, DH), jnp.float32),
)


def _mid_body(agg_ref, y_ref, degp_ref, b_ref, w_ref, o_ref):
    d = _rsqrt_deg(degp_ref[...])
    g = jnp.concatenate(
        [agg_ref[0] + y_ref[0], agg_ref[1] + y_ref[1]], axis=1)
    h = jnp.maximum(g * d + b_ref[...], 0.0)
    y2 = jnp.dot(h, w_ref[...], preferred_element_type=jnp.float32) * d
    o_ref[0] = y2[:, :DH]
    o_ref[1] = y2[:, DH:]


_mid_call = pl.pallas_call(
    _mid_body,
    grid=(N_PAD // BN,),
    in_specs=[
        pl.BlockSpec((NC, BN, DH), lambda i: (0, i, 0)),
        pl.BlockSpec((NC, BN, DH), lambda i: (0, i, 0)),
        pl.BlockSpec((NC, BN, DEG_W), lambda i: (0, i, 0)),
        pl.BlockSpec((1, D), lambda i: (0, 0)),
        pl.BlockSpec((D, D), lambda i: (0, 0)),
    ],
    out_specs=pl.BlockSpec((NC, BN, DH), lambda i: (0, i, 0)),
    out_shape=jax.ShapeDtypeStruct((NC, N_PAD, DH), jnp.float32),
)


def _out_body(agg_ref, y_ref, degp_ref, b_ref, o_ref):
    d = _rsqrt_deg(degp_ref[...])
    g = jnp.concatenate(
        [agg_ref[0] + y_ref[0], agg_ref[1] + y_ref[1]], axis=1)
    o_ref[...] = g * d + b_ref[...]


_out_call = pl.pallas_call(
    _out_body,
    grid=(N // BN_E,),
    in_specs=[
        pl.BlockSpec((NC, BN_E, DH), lambda i: (0, i, 0)),
        pl.BlockSpec((NC, BN_E, DH), lambda i: (0, i, 0)),
        pl.BlockSpec((NC, BN_E, DEG_W), lambda i: (0, i, 0)),
        pl.BlockSpec((1, D), lambda i: (0, 0)),
    ],
    out_specs=pl.BlockSpec((BN_E, D), lambda i: (i, 0)),
    out_shape=jax.ShapeDtypeStruct((N, D), jnp.float32),
)


def kernel(x, edge_index, W1, b1, W2, b2):
    src = edge_index[0]
    dst = edge_index[1]
    padi = jnp.full((E_PAD - E,), N, dtype=jnp.int32)
    srcr = jnp.concatenate([src, padi]).reshape(E_ROWS, CH)
    srcr2 = jnp.stack([srcr, srcr + N_PAD])
    dstr = jnp.concatenate([dst, padi]).reshape(E_ROWS, CH)
    x_pad = jnp.zeros((N_PAD, D), x.dtype).at[:N].set(x)
    zeros_deg = jnp.zeros((ROWS_N, DEG_W), jnp.float32)
    ones_deg = jnp.ones((CH, DEG_W), jnp.float32)
    zeros_agg = jnp.zeros((ROWS_N, DH), jnp.float32)
    b1r = b1.reshape(1, D)
    b2r = b2.reshape(1, D)

    degp = _deg_kernel(dstr, ones_deg, zeros_deg)
    y1 = _y1_call(x_pad, W1, degp)
    agg1 = _agg_kernel(y1.reshape(NC * N_PAD, DH), srcr2, dstr, zeros_agg)
    y2 = _mid_call(agg1, y1, degp, b1r, W2)
    agg2 = _agg_kernel(y2.reshape(NC * N_PAD, DH), srcr2, dstr, zeros_agg)
    out = _out_call(agg2, y2, degp, b2r)
    return out

# --- scband reference (transcript-rebuilt; emitter-appended) ---
"""Pipeline reference for scband-gcn-44521630990730 (READ-ONLY COPY).

The authoritative reference and input builder live on the scoring server;
editing this copy changes nothing except your own understanding.
"""

import jax, jax.numpy as jnp
import numpy as np

N_NODES = 10000
N_EDGES = 320000
D_IN = 128
D_HID = 128
D_OUT = 128


def setup_inputs(seed: int = 0) -> dict:
    key = jax.random.key(seed)
    k_x, k_e, k_w1, k_b1, k_w2, k_b2 = jax.random.split(key, 6)
    x = jax.random.normal(k_x, (N_NODES, D_IN), dtype=jnp.float32)
    edge_index = jax.random.randint(k_e, (2, N_EDGES), 0, N_NODES, dtype=jnp.int32)
    # Glorot-style init for GCNConv weights, zeros for bias (PyG default)
    s1 = (6.0 / (D_IN + D_HID)) ** 0.5
    W1 = jax.random.uniform(k_w1, (D_IN, D_HID), dtype=jnp.float32, minval=-s1, maxval=s1)
    b1 = jnp.zeros((D_HID,), dtype=jnp.float32)
    s2 = (6.0 / (D_HID + D_OUT)) ** 0.5
    W2 = jax.random.uniform(k_w2, (D_HID, D_OUT), dtype=jnp.float32, minval=-s2, maxval=s2)
    b2 = jnp.zeros((D_OUT,), dtype=jnp.float32)
    return {"x": x, "edge_index": edge_index, "W1": W1, "b1": b1, "W2": W2, "b2": b2}


def _gcn_conv(x, edge_index, W, b, num_nodes):
    # Faithful GCNConv: add self-loops, symmetric normalization, scatter-add aggregation
    src = edge_index[0]
    dst = edge_index[1]
    loop = jnp.arange(num_nodes, dtype=src.dtype)
    src = jnp.concatenate([src, loop])
    dst = jnp.concatenate([dst, loop])
    xW = x @ W
    deg = jnp.zeros((num_nodes,), dtype=x.dtype).at[dst].add(1.0)
    deg_inv_sqrt = jnp.where(deg > 0, deg ** -0.5, 0.0)
    norm = deg_inv_sqrt[src] * deg_inv_sqrt[dst]
    msgs = xW[src] * norm[:, None]
    out = jnp.zeros_like(xW).at[dst].add(msgs)
    return out + b


def reference(x, edge_index, W1, b1, W2, b2):
    h = _gcn_conv(x, edge_index, W1, b1, N_NODES)
    h = jax.nn.relu(h)
    out = _gcn_conv(h, edge_index, W2, b2, N_NODES)
    return out

if __name__ == "__main__":
    import jax
    _d = setup_inputs()
    print(jax.jit(kernel)(*tuple(_d.values())))

</pallas_src>

<mosaic_0001>
#map = affine_map<(d0, d1) -> (0, 0)>
#map1 = affine_map<(d0, d1) -> (0, 0, 0)>
module attributes {stable_mosaic.version = 14 : i64} {
  func.func @_deg_body(%arg0: i32, %arg1: i32, %arg2: memref<2560x128xi32, #tpu.memory_space<hbm>>, %arg3: memref<128x8xf32, #tpu.memory_space<hbm>>, %arg4: memref<640x8xf32, #tpu.memory_space<hbm>>, %arg5: memref<2x10240x8xf32, #tpu.memory_space<hbm>>, %arg6: memref<128x8xf32, #tpu.memory_space<vmem>>, %arg7: memref<80x128xi32, #tpu.memory_space<vmem>>, %arg8: memref<10240x8xf32, #tpu.memory_space<vmem_shared>>) attributes {dimension_semantics = [#tpu.dimension_semantics<core_parallel>, #tpu.dimension_semantics<subcore_parallel>], iteration_bounds = array<i64: 2, 16>, scalar_prefetch = 0 : i64, scratch_operands = 3 : i64, tpu.core_type = #tpu.core_type<sc_vector_subcore>, window_params = [{transform_indices = #map}, {transform_indices = #map}, {transform_indices = #map}, {transform_indices = #map1}]} {
    %mul3A = arith.constant 640 : i32
    %mul3A_0 = arith.muli %arg1, %mul3A : i32
    "tpu.region"() ({
      %run_scoped3A = tpu.sem_alloc : memref<!tpu.dma_semaphore, #tpu.memory_space<semaphore_mem>>
      %dma_start3A = arith.constant 0 : i32
      %dma_start3A_15 = tpu.memref_slice %arg8[%mul3A_0, %dma_start3A] : memref<10240x8xf32, #tpu.memory_space<vmem_shared>> -> memref<640x8xf32, #tpu.memory_space<vmem_shared>>
      tpu.enqueue_dma source(%arg4 : memref<640x8xf32, #tpu.memory_space<hbm>>) target(%dma_start3A_15 : memref<640x8xf32, #tpu.memory_space<vmem_shared>>) target_semaphore(%run_scoped3A : memref<!tpu.dma_semaphore, #tpu.memory_space<semaphore_mem>>)
      %dma_wait3A = arith.constant 0 : i32
      %dma_wait3A_16 = tpu.memref_slice %arg8[%mul3A_0, %dma_wait3A] : memref<10240x8xf32, #tpu.memory_space<vmem_shared>> -> memref<640x8xf32, #tpu.memory_space<vmem_shared>>
      tpu.wait_dma2 semaphore(%run_scoped3A : memref<!tpu.dma_semaphore, #tpu.memory_space<semaphore_mem>>) src(%arg4 : memref<640x8xf32, #tpu.memory_space<hbm>>) dst(%dma_wait3A_16 : memref<640x8xf32, #tpu.memory_space<vmem_shared>>)
      tpu.yield
    }) : () -> ()
    "tpu.region"() ({
      %run_scoped3A = tpu.sem_alloc : memref<!tpu.dma_semaphore, #tpu.memory_space<semaphore_mem>>
      tpu.enqueue_dma source(%arg3 : memref<128x8xf32, #tpu.memory_space<hbm>>) target(%arg6 : memref<128x8xf32, #tpu.memory_space<vmem>>) target_semaphore(%run_scoped3A : memref<!tpu.dma_semaphore, #tpu.memory_space<semaphore_mem>>)
      tpu.wait_dma2 semaphore(%run_scoped3A : memref<!tpu.dma_semaphore, #tpu.memory_space<semaphore_mem>>) src(%arg3 : memref<128x8xf32, #tpu.memory_space<hbm>>) dst(%arg6 : memref<128x8xf32, #tpu.memory_space<vmem>>)
      tpu.yield
    }) : () -> ()
    %mul3A_1 = arith.constant 16 : i32
    %mul3A_2 = arith.muli %arg0, %mul3A_1 : i32
    %add3A = arith.addi %mul3A_2, %arg1 : i32
    %mul3A_3 = arith.constant 80 : i32
    %mul3A_4 = arith.muli %add3A, %mul3A_3 : i32
    "tpu.region"() ({
      %run_scoped3A = tpu.sem_alloc : memref<!tpu.dma_semaphore, #tpu.memory_space<semaphore_mem>>
      %dma_start3A = arith.constant 0 : i32
      %dma_start3A_15 = tpu.memref_slice %arg2[%mul3A_4, %dma_start3A] : memref<2560x128xi32, #tpu.memory_space<hbm>> -> memref<80x128xi32, #tpu.memory_space<hbm>>
      %dma_start3A_16 = arith.constant 0 : i32
      %dma_start3A_17 = tpu.memref_slice %arg2[%mul3A_4, %dma_start3A_16] : memref<2560x128xi32, #tpu.memory_space<hbm>> -> memref<80x128xi32, #tpu.memory_space<hbm>>
      tpu.enqueue_dma source(%dma_start3A_17 : memref<80x128xi32, #tpu.memory_space<hbm>>) target(%arg7 : memref<80x128xi32, #tpu.memory_space<vmem>>) target_semaphore(%run_scoped3A : memref<!tpu.dma_semaphore, #tpu.memory_space<semaphore_mem>>)
      %dma_wait3A = arith.constant 0 : i32
      %dma_wait3A_18 = tpu.memref_slice %arg2[%mul3A_4, %dma_wait3A] : memref<2560x128xi32, #tpu.memory_space<hbm>> -> memref<80x128xi32, #tpu.memory_space<hbm>>
      %dma_wait3A_19 = arith.constant 0 : i32
      %dma_wait3A_20 = tpu.memref_slice %arg2[%mul3A_4, %dma_wait3A_19] : memref<2560x128xi32, #tpu.memory_space<hbm>> -> memref<80x128xi32, #tpu.memory_space<hbm>>
      tpu.wait_dma2 semaphore(%run_scoped3A : memref<!tpu.dma_semaphore, #tpu.memory_space<semaphore_mem>>) src(%dma_wait3A_20 : memref<80x128xi32, #tpu.memory_space<hbm>>) dst(%arg7 : memref<80x128xi32, #tpu.memory_space<vmem>>)
      tpu.yield
    }) : () -> ()
    %barrier3A = arith.constant 0 : index
    tpu.barrier barrier_id(%barrier3A)
    %scan3A = arith.constant 0 : i32
    %scan3A_5 = arith.constant 0 : i32
    %scan3A_6 = arith.constant 80 : i32
    %scan3A_7 = arith.addi %scan3A_5, %scan3A_6 : i32
    %scan3A_8 = arith.constant 1 : i32
    scf.for %scan3A_15 = %scan3A_5 to %scan3A_7 step %scan3A_8  : i32 {
      "tpu.region"() ({
        %run_scoped3A = tpu.sem_alloc : memref<!tpu.dma_semaphore, #tpu.memory_space<semaphore_mem>>
        %dma_start3A = arith.constant 0 : i32
        %dma_start3A_16 = tpu.memref_slice %arg7[%scan3A_15, %dma_start3A] : memref<80x128xi32, #tpu.memory_space<vmem>> -> memref<1x128xi32, #tpu.memory_space<vmem>>
        %dma_start3A_17 = tpu.memref_squeeze %dma_start3A_16 : memref<1x128xi32, #tpu.memory_space<vmem>> -> memref<128xi32, #tpu.memory_space<vmem>>
        %dma_start3A_18 = arith.constant 0 : i32
        %dma_start3A_19 = arith.constant 0 : i32
        %dma_start3A_20 = tpu.memref_slice %arg8[%dma_start3A_18, %dma_start3A_19] : memref<10240x8xf32, #tpu.memory_space<vmem_shared>> -> memref<10240x8xf32, #tpu.memory_space<vmem_shared>>
        tpu.enqueue_indirect_dma source(%arg6 : memref<128x8xf32, #tpu.memory_space<vmem>>) target(%dma_start3A_20 : memref<10240x8xf32, #tpu.memory_space<vmem_shared>>) offsets(%dma_start3A_17 : memref<128xi32, #tpu.memory_space<vmem>>) semaphore(%run_scoped3A : memref<!tpu.dma_semaphore, #tpu.memory_space<semaphore_mem>>) {add = true}
        %dma_wait3A = arith.constant 0 : i32
        %dma_wait3A_21 = tpu.memref_slice %arg7[%scan3A_15, %dma_wait3A] : memref<80x128xi32, #tpu.memory_space<vmem>> -> memref<1x128xi32, #tpu.memory_space<vmem>>
        %dma_wait3A_22 = tpu.memref_squeeze %dma_wait3A_21 : memref<1x128xi32, #tpu.memory_space<vmem>> -> memref<128xi32, #tpu.memory_space<vmem>>
        %dma_wait3A_23 = arith.constant 0 : i32
        %dma_wait3A_24 = arith.constant 0 : i32
        %dma_wait3A_25 = tpu.memref_slice %arg8[%dma_wait3A_23, %dma_wait3A_24] : memref<10240x8xf32, #tpu.memory_space<vmem_shared>> -> memref<10240x8xf32, #tpu.memory_space<vmem_shared>>
        tpu.wait_indirect_dma semaphore(%run_scoped3A : memref<!tpu.dma_semaphore, #tpu.memory_space<semaphore_mem>>) src(%arg6 : memref<128x8xf32, #tpu.memory_space<vmem>>) dst(%dma_wait3A_25 : memref<10240x8xf32, #tpu.memory_space<vmem_shared>>)
        tpu.yield
      }) : () -> ()
    }
    %scan3A_9 = arith.constant 80 : i32
    %barrier3A_10 = arith.constant 0 : index
    tpu.barrier barrier_id(%barrier3A_10)
    %mul3A_11 = arith.constant 640 : i32
    %mul3A_12 = arith.muli %arg1, %mul3A_11 : i32
    %mul3A_13 = arith.constant 640 : i32
    %mul3A_14 = arith.muli %arg1, %mul3A_13 : i32
    "tpu.region"() ({
      %run_scoped3A = tpu.sem_alloc : memref<!tpu.dma_semaphore, #tpu.memory_space<semaphore_mem>>
      %dma_start3A = arith.constant 0 : i32
      %dma_start3A_15 = tpu.memref_slice %arg5[%arg0, %mul3A_14, %dma_start3A] : memref<2x10240x8xf32, #tpu.memory_space<hbm>> -> memref<1x640x8xf32, #tpu.memory_space<hbm>>
      %dma_start3A_16 = tpu.memref_squeeze %dma_start3A_15 : memref<1x640x8xf32, #tpu.memory_space<hbm>> -> memref<640x8xf32, #tpu.memory_space<hbm>>
      %dma_start3A_17 = arith.constant 0 : i32
      %dma_start3A_18 = tpu.memref_slice %arg8[%mul3A_12, %dma_start3A_17] : memref<10240x8xf32, #tpu.memory_space<vmem_shared>> -> memref<640x8xf32, #tpu.memory_space<vmem_shared>>
      tpu.enqueue_dma source(%dma_start3A_18 : memref<640x8xf32, #tpu.memory_space<vmem_shared>>) target(%dma_start3A_16 : memref<640x8xf32, #tpu.memory_space<hbm>>) target_semaphore(%run_scoped3A : memref<!tpu.dma_semaphore, #tpu.memory_space<semaphore_mem>>)
      %dma_wait3A = arith.constant 0 : i32
      %dma_wait3A_19 = tpu.memref_slice %arg5[%arg0, %mul3A_14, %dma_wait3A] : memref<2x10240x8xf32, #tpu.memory_space<hbm>> -> memref<1x640x8xf32, #tpu.memory_space<hbm>>
      %dma_wait3A_20 = tpu.memref_squeeze %dma_wait3A_19 : memref<1x640x8xf32, #tpu.memory_space<hbm>> -> memref<640x8xf32, #tpu.memory_space<hbm>>
      %dma_wait3A_21 = arith.constant 0 : i32
      %dma_wait3A_22 = tpu.memref_slice %arg8[%mul3A_12, %dma_wait3A_21] : memref<10240x8xf32, #tpu.memory_space<vmem_shared>> -> memref<640x8xf32, #tpu.memory_space<vmem_shared>>
      tpu.wait_dma2 semaphore(%run_scoped3A : memref<!tpu.dma_semaphore, #tpu.memory_space<semaphore_mem>>) src(%dma_wait3A_22 : memref<640x8xf32, #tpu.memory_space<vmem_shared>>) dst(%dma_wait3A_20 : memref<640x8xf32, #tpu.memory_space<hbm>>)
      tpu.yield
    }) : () -> ()
    return
  }
}

#map = affine_map<(d0, d1) -> (0, 0)>
#map1 = affine_map<(d0, d1) -> (0, 0, 0)>
module attributes {stable_mosaic.version = 14 : i64} {
  func.func @_agg_body(%arg0: i32, %arg1: i32, %arg2: memref<20480x64xf32, #tpu.memory_space<hbm>>, %arg3: memref<2x2560x128xi32, #tpu.memory_space<hbm>>, %arg4: memref<2560x128xi32, #tpu.memory_space<hbm>>, %arg5: memref<640x64xf32, #tpu.memory_space<hbm>>, %arg6: memref<2x10240x64xf32, #tpu.memory_space<hbm>>, %arg7: memref<160x128xi32, #tpu.memory_space<vmem>>, %arg8: memref<160x128xi32, #tpu.memory_space<vmem>>, %arg9: memref<128x64xf32, #tpu.memory_space<vmem>>, %arg10: memref<128x64xf32, #tpu.memory_space<vmem>>, %arg11: memref<128x64xf32, #tpu.memory_space<vmem>>, %arg12: memref<128x64xf32, #tpu.memory_space<vmem>>, %arg13: memref<10240x64xf32, #tpu.memory_space<vmem_shared>>, %arg14: memref<!tpu.dma_semaphore, #tpu.memory_space<semaphore_mem>>, %arg15: memref<!tpu.dma_semaphore, #tpu.memory_space<semaphore_mem>>, %arg16: memref<!tpu.dma_semaphore, #tpu.memory_space<semaphore_mem>>, %arg17: memref<!tpu.dma_semaphore, #tpu.memory_space<semaphore_mem>>) attributes {dimension_semantics = [#tpu.dimension_semantics<core_parallel>, #tpu.dimension_semantics<subcore_parallel>], iteration_bounds = array<i64: 2, 16>, scalar_prefetch = 0 : i64, scratch_operands = 11 : i64, tpu.core_type = #tpu.core_type<sc_vector_subcore>, window_params = [{transform_indices = #map}, {transform_indices = #map1}, {transform_indices = #map}, {transform_indices = #map}, {transform_indices = #map1}]} {
    %mul3A = arith.constant 640 : i32
    %mul3A_0 = arith.muli %arg1, %mul3A : i32
    "tpu.region"() ({
      %run_scoped3A_68 = tpu.sem_alloc : memref<!tpu.dma_semaphore, #tpu.memory_space<semaphore_mem>>
      %dma_start3A_69 = arith.constant 0 : i32
      %dma_start3A_70 = tpu.memref_slice %arg13[%mul3A_0, %dma_start3A_69] : memref<10240x64xf32, #tpu.memory_space<vmem_shared>> -> memref<640x64xf32, #tpu.memory_space<vmem_shared>>
      tpu.enqueue_dma source(%arg5 : memref<640x64xf32, #tpu.memory_space<hbm>>) target(%dma_start3A_70 : memref<640x64xf32, #tpu.memory_space<vmem_shared>>) target_semaphore(%run_scoped3A_68 : memref<!tpu.dma_semaphore, #tpu.memory_space<semaphore_mem>>)
      %dma_wait3A_71 = arith.constant 0 : i32
      %dma_wait3A_72 = tpu.memref_slice %arg13[%mul3A_0, %dma_wait3A_71] : memref<10240x64xf32, #tpu.memory_space<vmem_shared>> -> memref<640x64xf32, #tpu.memory_space<vmem_shared>>
      tpu.wait_dma2 semaphore(%run_scoped3A_68 : memref<!tpu.dma_semaphore, #tpu.memory_space<semaphore_mem>>) src(%arg5 : memref<640x64xf32, #tpu.memory_space<hbm>>) dst(%dma_wait3A_72 : memref<640x64xf32, #tpu.memory_space<vmem_shared>>)
      tpu.yield
    }) : () -> ()
    %mul3A_1 = arith.constant 160 : i32
    %mul3A_2 = arith.muli %arg1, %mul3A_1 : i32
    "tpu.region"() ({
      %run_scoped3A_68 = tpu.sem_alloc : memref<!tpu.dma_semaphore, #tpu.memory_space<semaphore_mem>>
      %dma_start3A_69 = arith.constant 0 : i32
      %dma_start3A_70 = tpu.memref_slice %arg3[%arg0, %mul3A_2, %dma_start3A_69] : memref<2x2560x128xi32, #tpu.memory_space<hbm>> -> memref<1x160x128xi32, #tpu.memory_space<hbm>>
      %dma_start3A_71 = tpu.memref_squeeze %dma_start3A_70 : memref<1x160x128xi32, #tpu.memory_space<hbm>> -> memref<160x128xi32, #tpu.memory_space<hbm>>
      %dma_start3A_72 = arith.constant 0 : i32
      %dma_start3A_73 = tpu.memref_slice %arg3[%arg0, %mul3A_2, %dma_start3A_72] : memref<2x2560x128xi32, #tpu.memory_space<hbm>> -> memref<1x160x128xi32, #tpu.memory_space<hbm>>
      %dma_start3A_74 = tpu.memref_squeeze %dma_start3A_73 : memref<1x160x128xi32, #tpu.memory_space<hbm>> -> memref<160x128xi32, #tpu.memory_space<hbm>>
      tpu.enqueue_dma source(%dma_start3A_74 : memref<160x128xi32, #tpu.memory_space<hbm>>) target(%arg7 : memref<160x128xi32, #tpu.memory_space<vmem>>) target_semaphore(%run_scoped3A_68 : memref<!tpu.dma_semaphore, #tpu.memory_space<semaphore_mem>>)
      %dma_wait3A_75 = arith.constant 0 : i32
      %dma_wait3A_76 = tpu.memref_slice %arg3[%arg0, %mul3A_2, %dma_wait3A_75] : memref<2x2560x128xi32, #tpu.memory_space<hbm>> -> memref<1x160x128xi32, #tpu.memory_space<hbm>>
      %dma_wait3A_77 = tpu.memref_squeeze %dma_wait3A_76 : memref<1x160x128xi32, #tpu.memory_space<hbm>> -> memref<160x128xi32, #tpu.memory_space<hbm>>
      %dma_wait3A_78 = arith.constant 0 : i32
      %dma_wait3A_79 = tpu.memref_slice %arg3[%arg0, %mul3A_2, %dma_wait3A_78] : memref<2x2560x128xi32, #tpu.memory_space<hbm>> -> memref<1x160x128xi32, #tpu.memory_space<hbm>>
      %dma_wait3A_80 = tpu.memref_squeeze %dma_wait3A_79 : memref<1x160x128xi32, #tpu.memory_space<hbm>> -> memref<160x128xi32, #tpu.memory_space<hbm>>
      tpu.wait_dma2 semaphore(%run_scoped3A_68 : memref<!tpu.dma_semaphore, #tpu.memory_space<semaphore_mem>>) src(%dma_wait3A_80 : memref<160x128xi32, #tpu.memory_space<hbm>>) dst(%arg7 : memref<160x128xi32, #tpu.memory_space<vmem>>)
      tpu.yield
    }) : () -> ()
    %mul3A_3 = arith.constant 160 : i32
    %mul3A_4 = arith.muli %arg1, %mul3A_3 : i32
    "tpu.region"() ({
      %run_scoped3A_68 = tpu.sem_alloc : memref<!tpu.dma_semaphore, #tpu.memory_space<semaphore_mem>>
      %dma_start3A_69 = arith.constant 0 : i32
      %dma_start3A_70 = tpu.memref_slice %arg4[%mul3A_4, %dma_start3A_69] : memref<2560x128xi32, #tpu.memory_space<hbm>> -> memref<160x128xi32, #tpu.memory_space<hbm>>
      %dma_start3A_71 = arith.constant 0 : i32
      %dma_start3A_72 = tpu.memref_slice %arg4[%mul3A_4, %dma_start3A_71] : memref<2560x128xi32, #tpu.memory_space<hbm>> -> memref<160x128xi32, #tpu.memory_space<hbm>>
      tpu.enqueue_dma source(%dma_start3A_72 : memref<160x128xi32, #tpu.memory_space<hbm>>) target(%arg8 : memref<160x128xi32, #tpu.memory_space<vmem>>) target_semaphore(%run_scoped3A_68 : memref<!tpu.dma_semaphore, #tpu.memory_space<semaphore_mem>>)
      %dma_wait3A_73 = arith.constant 0 : i32
      %dma_wait3A_74 = tpu.memref_slice %arg4[%mul3A_4, %dma_wait3A_73] : memref<2560x128xi32, #tpu.memory_space<hbm>> -> memref<160x128xi32, #tpu.memory_space<hbm>>
      %dma_wait3A_75 = arith.constant 0 : i32
      %dma_wait3A_76 = tpu.memref_slice %arg4[%mul3A_4, %dma_wait3A_75] : memref<2560x128xi32, #tpu.memory_space<hbm>> -> memref<160x128xi32, #tpu.memory_space<hbm>>
      tpu.wait_dma2 semaphore(%run_scoped3A_68 : memref<!tpu.dma_semaphore, #tpu.memory_space<semaphore_mem>>) src(%dma_wait3A_76 : memref<160x128xi32, #tpu.memory_space<hbm>>) dst(%arg8 : memref<160x128xi32, #tpu.memory_space<vmem>>)
      tpu.yield
    }) : () -> ()
    %dma_start3A = arith.constant 0 : i32
    %dma_start3A_5 = arith.constant 0 : i32
    %dma_start3A_6 = tpu.memref_slice %arg7[%dma_start3A, %dma_start3A_5] : memref<160x128xi32, #tpu.memory_space<vmem>> -> memref<1x128xi32, #tpu.memory_space<vmem>>
    %dma_start3A_7 = tpu.memref_squeeze %dma_start3A_6 : memref<1x128xi32, #tpu.memory_space<vmem>> -> memref<128xi32, #tpu.memory_space<vmem>>
    %dma_start3A_8 = arith.constant 0 : i32
    %dma_start3A_9 = arith.constant 0 : i32
    %dma_start3A_10 = tpu.memref_slice %arg2[%dma_start3A_8, %dma_start3A_9] : memref<20480x64xf32, #tpu.memory_space<hbm>> -> memref<20480x64xf32, #tpu.memory_space<hbm>>
    tpu.enqueue_indirect_dma source(%dma_start3A_10 : memref<20480x64xf32, #tpu.memory_space<hbm>>) target(%arg9 : memref<128x64xf32, #tpu.memory_space<vmem>>) offsets(%dma_start3A_7 : memref<128xi32, #tpu.memory_space<vmem>>) semaphore(%arg14 : memref<!tpu.dma_semaphore, #tpu.memory_space<semaphore_mem>>)
    %dma_start3A_11 = arith.constant 1 : i32
    %dma_start3A_12 = arith.constant 0 : i32
    %dma_start3A_13 = tpu.memref_slice %arg7[%dma_start3A_11, %dma_start3A_12] : memref<160x128xi32, #tpu.memory_space<vmem>> -> memref<1x128xi32, #tpu.memory_space<vmem>>
    %dma_start3A_14 = tpu.memref_squeeze %dma_start3A_13 : memref<1x128xi32, #tpu.memory_space<vmem>> -> memref<128xi32, #tpu.memory_space<vmem>>
    %dma_start3A_15 = arith.constant 0 : i32
    %dma_start3A_16 = arith.constant 0 : i32
    %dma_start3A_17 = tpu.memref_slice %arg2[%dma_start3A_15, %dma_start3A_16] : memref<20480x64xf32, #tpu.memory_space<hbm>> -> memref<20480x64xf32, #tpu.memory_space<hbm>>
    tpu.enqueue_indirect_dma source(%dma_start3A_17 : memref<20480x64xf32, #tpu.memory_space<hbm>>) target(%arg10 : memref<128x64xf32, #tpu.memory_space<vmem>>) offsets(%dma_start3A_14 : memref<128xi32, #tpu.memory_space<vmem>>) semaphore(%arg15 : memref<!tpu.dma_semaphore, #tpu.memory_space<semaphore_mem>>)
    %dma_start3A_18 = arith.constant 2 : i32
    %dma_start3A_19 = arith.constant 0 : i32
    %dma_start3A_20 = tpu.memref_slice %arg7[%dma_start3A_18, %dma_start3A_19] : memref<160x128xi32, #tpu.memory_space<vmem>> -> memref<1x128xi32, #tpu.memory_space<vmem>>
    %dma_start3A_21 = tpu.memref_squeeze %dma_start3A_20 : memref<1x128xi32, #tpu.memory_space<vmem>> -> memref<128xi32, #tpu.memory_space<vmem>>
    %dma_start3A_22 = arith.constant 0 : i32
    %dma_start3A_23 = arith.constant 0 : i32
    %dma_start3A_24 = tpu.memref_slice %arg2[%dma_start3A_22, %dma_start3A_23] : memref<20480x64xf32, #tpu.memory_space<hbm>> -> memref<20480x64xf32, #tpu.memory_space<hbm>>
    tpu.enqueue_indirect_dma source(%dma_start3A_24 : memref<20480x64xf32, #tpu.memory_space<hbm>>) target(%arg11 : memref<128x64xf32, #tpu.memory_space<vmem>>) offsets(%dma_start3A_21 : memref<128xi32, #tpu.memory_space<vmem>>) semaphore(%arg16 : memref<!tpu.dma_semaphore, #tpu.memory_space<semaphore_mem>>)
    %dma_start3A_25 = arith.constant 3 : i32
    %dma_start3A_26 = arith.constant 0 : i32
    %dma_start3A_27 = tpu.memref_slice %arg7[%dma_start3A_25, %dma_start3A_26] : memref<160x128xi32, #tpu.memory_space<vmem>> -> memref<1x128xi32, #tpu.memory_space<vmem>>
    %dma_start3A_28 = tpu.memref_squeeze %dma_start3A_27 : memref<1x128xi32, #tpu.memory_space<vmem>> -> memref<128xi32, #tpu.memory_space<vmem>>
    %dma_start3A_29 = arith.constant 0 : i32
    %dma_start3A_30 = arith.constant 0 : i32
    %dma_start3A_31 = tpu.memref_slice %arg2[%dma_start3A_29, %dma_start3A_30] : memref<20480x64xf32, #tpu.memory_space<hbm>> -> memref<20480x64xf32, #tpu.memory_space<hbm>>
    tpu.enqueue_indirect_dma source(%dma_start3A_31 : memref<20480x64xf32, #tpu.memory_space<hbm>>) target(%arg12 : memref<128x64xf32, #tpu.memory_space<vmem>>) offsets(%dma_start3A_28 : memref<128xi32, #tpu.memory_space<vmem>>) semaphore(%arg17 : memref<!tpu.dma_semaphore, #tpu.memory_space<semaphore_mem>>)
    %barrier3A = arith.constant 0 : index
    tpu.barrier barrier_id(%barrier3A)
    %scan3A = arith.constant 0 : i32
    %scan3A_32 = arith.constant 0 : i32
    %scan3A_33 = arith.constant 39 : i32
    %scan3A_34 = arith.addi %scan3A_32, %scan3A_33 : i32
    %scan3A_35 = arith.constant 1 : i32
    scf.for %scan3A_68 = %scan3A_32 to %scan3A_34 step %scan3A_35  : i32 {
      %mul3A_69 = arith.constant 4 : i32
      %mul3A_70 = arith.muli %scan3A_68, %mul3A_69 : i32
      %add3A = arith.constant 0 : i32
      %add3A_71 = arith.addi %mul3A_70, %add3A : i32
      %dma_wait3A_72 = arith.constant 0 : i32
      %dma_wait3A_73 = arith.constant 0 : i32
      %dma_wait3A_74 = tpu.memref_slice %arg2[%dma_wait3A_72, %dma_wait3A_73] : memref<20480x64xf32, #tpu.memory_space<hbm>> -> memref<128x64xf32, #tpu.memory_space<hbm>>
      %dma_wait3A_75 = arith.constant 0 : i32
      %dma_wait3A_76 = arith.constant 0 : i32
      %dma_wait3A_77 = tpu.memref_slice %arg2[%dma_wait3A_75, %dma_wait3A_76] : memref<20480x64xf32, #tpu.memory_space<hbm>> -> memref<128x64xf32, #tpu.memory_space<hbm>>
      tpu.wait_dma2 semaphore(%arg14 : memref<!tpu.dma_semaphore, #tpu.memory_space<semaphore_mem>>) src(%dma_wait3A_77 : memref<128x64xf32, #tpu.memory_space<hbm>>) dst(%arg9 : memref<128x64xf32, #tpu.memory_space<vmem>>)
      "tpu.region"() ({
        %run_scoped3A_134 = tpu.sem_alloc : memref<!tpu.dma_semaphore, #tpu.memory_space<semaphore_mem>>
        %dma_start3A_135 = arith.constant 0 : i32
        %dma_start3A_136 = tpu.memref_slice %arg8[%add3A_71, %dma_start3A_135] : memref<160x128xi32, #tpu.memory_space<vmem>> -> memref<1x128xi32, #tpu.memory_space<vmem>>
        %dma_start3A_137 = tpu.memref_squeeze %dma_start3A_136 : memref<1x128xi32, #tpu.memory_space<vmem>> -> memref<128xi32, #tpu.memory_space<vmem>>
        %dma_start3A_138 = arith.constant 0 : i32
        %dma_start3A_139 = arith.constant 0 : i32
        %dma_start3A_140 = tpu.memref_slice %arg13[%dma_start3A_138, %dma_start3A_139] : memref<10240x64xf32, #tpu.memory_space<vmem_shared>> -> memref<10240x64xf32, #tpu.memory_space<vmem_shared>>
        tpu.enqueue_indirect_dma source(%arg9 : memref<128x64xf32, #tpu.memory_space<vmem>>) target(%dma_start3A_140 : memref<10240x64xf32, #tpu.memory_space<vmem_shared>>) offsets(%dma_start3A_137 : memref<128xi32, #tpu.memory_space<vmem>>) semaphore(%run_scoped3A_134 : memref<!tpu.dma_semaphore, #tpu.memory_space<semaphore_mem>>) {add = true}
        %dma_wait3A_141 = arith.constant 0 : i32
        %dma_wait3A_142 = tpu.memref_slice %arg8[%add3A_71, %dma_wait3A_141] : memref<160x128xi32, #tpu.memory_space<vmem>> -> memref<1x128xi32, #tpu.memory_space<vmem>>
        %dma_wait3A_143 = tpu.memref_squeeze %dma_wait3A_142 : memref<1x128xi32, #tpu.memory_space<vmem>> -> memref<128xi32, #tpu.memory_space<vmem>>
        %dma_wait3A_144 = arith.constant 0 : i32
        %dma_wait3A_145 = arith.constant 0 : i32
        %dma_wait3A_146 = tpu.memref_slice %arg13[%dma_wait3A_144, %dma_wait3A_145] : memref<10240x64xf32, #tpu.memory_space<vmem_shared>> -> memref<10240x64xf32, #tpu.memory_space<vmem_shared>>
        tpu.wait_indirect_dma semaphore(%run_scoped3A_134 : memref<!tpu.dma_semaphore, #tpu.memory_space<semaphore_mem>>) src(%arg9 : memref<128x64xf32, #tpu.memory_space<vmem>>) dst(%dma_wait3A_146 : memref<10240x64xf32, #tpu.memory_space<vmem_shared>>)
        tpu.yield
      }) : () -> ()
      %add3A_78 = arith.constant 4 : i32
      %add3A_79 = arith.addi %add3A_71, %add3A_78 : i32
      %dma_start3A_80 = arith.constant 0 : i32
      %dma_start3A_81 = tpu.memref_slice %arg7[%add3A_79, %dma_start3A_80] : memref<160x128xi32, #tpu.memory_space<vmem>> -> memref<1x128xi32, #tpu.memory_space<vmem>>
      %dma_start3A_82 = tpu.memref_squeeze %dma_start3A_81 : memref<1x128xi32, #tpu.memory_space<vmem>> -> memref<128xi32, #tpu.memory_space<vmem>>
      %dma_start3A_83 = arith.constant 0 : i32
      %dma_start3A_84 = arith.constant 0 : i32
      %dma_start3A_85 = tpu.memref_slice %arg2[%dma_start3A_83, %dma_start3A_84] : memref<20480x64xf32, #tpu.memory_space<hbm>> -> memref<20480x64xf32, #tpu.memory_space<hbm>>
      tpu.enqueue_indirect_dma source(%dma_start3A_85 : memref<20480x64xf32, #tpu.memory_space<hbm>>) target(%arg9 : memref<128x64xf32, #tpu.memory_space<vmem>>) offsets(%dma_start3A_82 : memref<128xi32, #tpu.memory_space<vmem>>) semaphore(%arg14 : memref<!tpu.dma_semaphore, #tpu.memory_space<semaphore_mem>>)
      %add3A_86 = arith.constant 1 : i32
      %add3A_87 = arith.addi %mul3A_70, %add3A_86 : i32
      %dma_wait3A_88 = arith.constant 0 : i32
      %dma_wait3A_89 = arith.constant 0 : i32
      %dma_wait3A_90 = tpu.memref_slice %arg2[%dma_wait3A_88, %dma_wait3A_89] : memref<20480x64xf32, #tpu.memory_space<hbm>> -> memref<128x64xf32, #tpu.memory_space<hbm>>
      %dma_wait3A_91 = arith.constant 0 : i32
      %dma_wait3A_92 = arith.constant 0 : i32
      %dma_wait3A_93 = tpu.memref_slice %arg2[%dma_wait3A_91, %dma_wait3A_92] : memref<20480x64xf32, #tpu.memory_space<hbm>> -> memref<128x64xf32, #tpu.memory_space<hbm>>
      tpu.wait_dma2 semaphore(%arg15 : memref<!tpu.dma_semaphore, #tpu.memory_space<semaphore_mem>>) src(%dma_wait3A_93 : memref<128x64xf32, #tpu.memory_space<hbm>>) dst(%arg10 : memref<128x64xf32, #tpu.memory_space<vmem>>)
      "tpu.region"() ({
        %run_scoped3A_134 = tpu.sem_alloc : memref<!tpu.dma_semaphore, #tpu.memory_space<semaphore_mem>>
        %dma_start3A_135 = arith.constant 0 : i32
        %dma_start3A_136 = tpu.memref_slice %arg8[%add3A_87, %dma_start3A_135] : memref<160x128xi32, #tpu.memory_space<vmem>> -> memref<1x128xi32, #tpu.memory_space<vmem>>
        %dma_start3A_137 = tpu.memref_squeeze %dma_start3A_136 : memref<1x128xi32, #tpu.memory_space<vmem>> -> memref<128xi32, #tpu.memory_space<vmem>>
        %dma_start3A_138 = arith.constant 0 : i32
        %dma_start3A_139 = arith.constant 0 : i32
        %dma_start3A_140 = tpu.memref_slice %arg13[%dma_start3A_138, %dma_start3A_139] : memref<10240x64xf32, #tpu.memory_space<vmem_shared>> -> memref<10240x64xf32, #tpu.memory_space<vmem_shared>>
        tpu.enqueue_indirect_dma source(%arg10 : memref<128x64xf32, #tpu.memory_space<vmem>>) target(%dma_start3A_140 : memref<10240x64xf32, #tpu.memory_space<vmem_shared>>) offsets(%dma_start3A_137 : memref<128xi32, #tpu.memory_space<vmem>>) semaphore(%run_scoped3A_134 : memref<!tpu.dma_semaphore, #tpu.memory_space<semaphore_mem>>) {add = true}
        %dma_wait3A_141 = arith.constant 0 : i32
        %dma_wait3A_142 = tpu.memref_slice %arg8[%add3A_87, %dma_wait3A_141] : memref<160x128xi32, #tpu.memory_space<vmem>> -> memref<1x128xi32, #tpu.memory_space<vmem>>
        %dma_wait3A_143 = tpu.memref_squeeze %dma_wait3A_142 : memref<1x128xi32, #tpu.memory_space<vmem>> -> memref<128xi32, #tpu.memory_space<vmem>>
        %dma_wait3A_144 = arith.constant 0 : i32
        %dma_wait3A_145 = arith.constant 0 : i32
        %dma_wait3A_146 = tpu.memref_slice %arg13[%dma_wait3A_144, %dma_wait3A_145] : memref<10240x64xf32, #tpu.memory_space<vmem_shared>> -> memref<10240x64xf32, #tpu.memory_space<vmem_shared>>
        tpu.wait_indirect_dma semaphore(%run_scoped3A_134 : memref<!tpu.dma_semaphore, #tpu.memory_space<semaphore_mem>>) src(%arg10 : memref<128x64xf32, #tpu.memory_space<vmem>>) dst(%dma_wait3A_146 : memref<10240x64xf32, #tpu.memory_space<vmem_shared>>)
        tpu.yield
      }) : () -> ()
      %add3A_94 = arith.constant 4 : i32
      %add3A_95 = arith.addi %add3A_87, %add3A_94 : i32
      %dma_start3A_96 = arith.constant 0 : i32
      %dma_start3A_97 = tpu.memref_slice %arg7[%add3A_95, %dma_start3A_96] : memref<160x128xi32, #tpu.memory_space<vmem>> -> memref<1x128xi32, #tpu.memory_space<vmem>>
      %dma_start3A_98 = tpu.memref_squeeze %dma_start3A_97 : memref<1x128xi32, #tpu.memory_space<vmem>> -> memref<128xi32, #tpu.memory_space<vmem>>
      %dma_start3A_99 = arith.constant 0 : i32
      %dma_start3A_100 = arith.constant 0 : i32
      %dma_start3A_101 = tpu.memref_slice %arg2[%dma_start3A_99, %dma_start3A_100] : memref<20480x64xf32, #tpu.memory_space<hbm>> -> memref<20480x64xf32, #tpu.memory_space<hbm>>
      tpu.enqueue_indirect_dma source(%dma_start3A_101 : memref<20480x64xf32, #tpu.memory_space<hbm>>) target(%arg10 : memref<128x64xf32, #tpu.memory_space<vmem>>) offsets(%dma_start3A_98 : memref<128xi32, #tpu.memory_space<vmem>>) semaphore(%arg15 : memref<!tpu.dma_semaphore, #tpu.memory_space<semaphore_mem>>)
      %add3A_102 = arith.constant 2 : i32
      %add3A_103 = arith.addi %mul3A_70, %add3A_102 : i32
      %dma_wait3A_104 = arith.constant 0 : i32
      %dma_wait3A_105 = arith.constant 0 : i32
      %dma_wait3A_106 = tpu.memref_slice %arg2[%dma_wait3A_104, %dma_wait3A_105] : memref<20480x64xf32, #tpu.memory_space<hbm>> -> memref<128x64xf32, #tpu.memory_space<hbm>>
      %dma_wait3A_107 = arith.constant 0 : i32
      %dma_wait3A_108 = arith.constant 0 : i32
      %dma_wait3A_109 = tpu.memref_slice %arg2[%dma_wait3A_107, %dma_wait3A_108] : memref<20480x64xf32, #tpu.memory_space<hbm>> -> memref<128x64xf32, #tpu.memory_space<hbm>>
      tpu.wait_dma2 semaphore(%arg16 : memref<!tpu.dma_semaphore, #tpu.memory_space<semaphore_mem>>) src(%dma_wait3A_109 : memref<128x64xf32, #tpu.memory_space<hbm>>) dst(%arg11 : memref<128x64xf32, #tpu.memory_space<vmem>>)
      "tpu.region"() ({
        %run_scoped3A_134 = tpu.sem_alloc : memref<!tpu.dma_semaphore, #tpu.memory_space<semaphore_mem>>
        %dma_start3A_135 = arith.constant 0 : i32
        %dma_start3A_136 = tpu.memref_slice %arg8[%add3A_103, %dma_start3A_135] : memref<160x128xi32, #tpu.memory_space<vmem>> -> memref<1x128xi32, #tpu.memory_space<vmem>>
        %dma_start3A_137 = tpu.memref_squeeze %dma_start3A_136 : memref<1x128xi32, #tpu.memory_space<vmem>> -> memref<128xi32, #tpu.memory_space<vmem>>
        %dma_start3A_138 = arith.constant 0 : i32
        %dma_start3A_139 = arith.constant 0 : i32
        %dma_start3A_140 = tpu.memref_slice %arg13[%dma_start3A_138, %dma_start3A_139] : memref<10240x64xf32, #tpu.memory_space<vmem_shared>> -> memref<10240x64xf32, #tpu.memory_space<vmem_shared>>
        tpu.enqueue_indirect_dma source(%arg11 : memref<128x64xf32, #tpu.memory_space<vmem>>) target(%dma_start3A_140 : memref<10240x64xf32, #tpu.memory_space<vmem_shared>>) offsets(%dma_start3A_137 : memref<128xi32, #tpu.memory_space<vmem>>) semaphore(%run_scoped3A_134 : memref<!tpu.dma_semaphore, #tpu.memory_space<semaphore_mem>>) {add = true}
        %dma_wait3A_141 = arith.constant 0 : i32
        %dma_wait3A_142 = tpu.memref_slice %arg8[%add3A_103, %dma_wait3A_141] : memref<160x128xi32, #tpu.memory_space<vmem>> -> memref<1x128xi32, #tpu.memory_space<vmem>>
        %dma_wait3A_143 = tpu.memref_squeeze %dma_wait3A_142 : memref<1x128xi32, #tpu.memory_space<vmem>> -> memref<128xi32, #tpu.memory_space<vmem>>
        %dma_wait3A_144 = arith.constant 0 : i32
        %dma_wait3A_145 = arith.constant 0 : i32
        %dma_wait3A_146 = tpu.memref_slice %arg13[%dma_wait3A_144, %dma_wait3A_145] : memref<10240x64xf32, #tpu.memory_space<vmem_shared>> -> memref<10240x64xf32, #tpu.memory_space<vmem_shared>>
        tpu.wait_indirect_dma semaphore(%run_scoped3A_134 : memref<!tpu.dma_semaphore, #tpu.memory_space<semaphore_mem>>) src(%arg11 : memref<128x64xf32, #tpu.memory_space<vmem>>) dst(%dma_wait3A_146 : memref<10240x64xf32, #tpu.memory_space<vmem_shared>>)
        tpu.yield
      }) : () -> ()
      %add3A_110 = arith.constant 4 : i32
      %add3A_111 = arith.addi %add3A_103, %add3A_110 : i32
      %dma_start3A_112 = arith.constant 0 : i32
      %dma_start3A_113 = tpu.memref_slice %arg7[%add3A_111, %dma_start3A_112] : memref<160x128xi32, #tpu.memory_space<vmem>> -> memref<1x128xi32, #tpu.memory_space<vmem>>
      %dma_start3A_114 = tpu.memref_squeeze %dma_start3A_113 : memref<1x128xi32, #tpu.memory_space<vmem>> -> memref<128xi32, #tpu.memory_space<vmem>>
      %dma_start3A_115 = arith.constant 0 : i32
      %dma_start3A_116 = arith.constant 0 : i32
      %dma_start3A_117 = tpu.memref_slice %arg2[%dma_start3A_115, %dma_start3A_116] : memref<20480x64xf32, #tpu.memory_space<hbm>> -> memref<20480x64xf32, #tpu.memory_space<hbm>>
      tpu.enqueue_indirect_dma source(%dma_start3A_117 : memref<20480x64xf32, #tpu.memory_space<hbm>>) target(%arg11 : memref<128x64xf32, #tpu.memory_space<vmem>>) offsets(%dma_start3A_114 : memref<128xi32, #tpu.memory_space<vmem>>) semaphore(%arg16 : memref<!tpu.dma_semaphore, #tpu.memory_space<semaphore_mem>>)
      %add3A_118 = arith.constant 3 : i32
      %add3A_119 = arith.addi %mul3A_70, %add3A_118 : i32
      %dma_wait3A_120 = arith.constant 0 : i32
      %dma_wait3A_121 = arith.constant 0 : i32
      %dma_wait3A_122 = tpu.memref_slice %arg2[%dma_wait3A_120, %dma_wait3A_121] : memref<20480x64xf32, #tpu.memory_space<hbm>> -> memref<128x64xf32, #tpu.memory_space<hbm>>
      %dma_wait3A_123 = arith.constant 0 : i32
      %dma_wait3A_124 = arith.constant 0 : i32
      %dma_wait3A_125 = tpu.memref_slice %arg2[%dma_wait3A_123, %dma_wait3A_124] : memref<20480x64xf32, #tpu.memory_space<hbm>> -> memref<128x64xf32, #tpu.memory_space<hbm>>
      tpu.wait_dma2 semaphore(%arg17 : memref<!tpu.dma_semaphore, #tpu.memory_space<semaphore_mem>>) src(%dma_wait3A_125 : memref<128x64xf32, #tpu.memory_space<hbm>>) dst(%arg12 : memref<128x64xf32, #tpu.memory_space<vmem>>)
      "tpu.region"() ({
        %run_scoped3A_134 = tpu.sem_alloc : memref<!tpu.dma_semaphore, #tpu.memory_space<semaphore_mem>>
        %dma_start3A_135 = arith.constant 0 : i32
        %dma_start3A_136 = tpu.memref_slice %arg8[%add3A_119, %dma_start3A_135] : memref<160x128xi32, #tpu.memory_space<vmem>> -> memref<1x128xi32, #tpu.memory_space<vmem>>
        %dma_start3A_137 = tpu.memref_squeeze %dma_start3A_136 : memref<1x128xi32, #tpu.memory_space<vmem>> -> memref<128xi32, #tpu.memory_space<vmem>>
        %dma_start3A_138 = arith.constant 0 : i32
        %dma_start3A_139 = arith.constant 0 : i32
        %dma_start3A_140 = tpu.memref_slice %arg13[%dma_start3A_138, %dma_start3A_139] : memref<10240x64xf32, #tpu.memory_space<vmem_shared>> -> memref<10240x64xf32, #tpu.memory_space<vmem_shared>>
        tpu.enqueue_indirect_dma source(%arg12 : memref<128x64xf32, #tpu.memory_space<vmem>>) target(%dma_start3A_140 : memref<10240x64xf32, #tpu.memory_space<vmem_shared>>) offsets(%dma_start3A_137 : memref<128xi32, #tpu.memory_space<vmem>>) semaphore(%run_scoped3A_134 : memref<!tpu.dma_semaphore, #tpu.memory_space<semaphore_mem>>) {add = true}
        %dma_wait3A_141 = arith.constant 0 : i32
        %dma_wait3A_142 = tpu.memref_slice %arg8[%add3A_119, %dma_wait3A_141] : memref<160x128xi32, #tpu.memory_space<vmem>> -> memref<1x128xi32, #tpu.memory_space<vmem>>
        %dma_wait3A_143 = tpu.memref_squeeze %dma_wait3A_142 : memref<1x128xi32, #tpu.memory_space<vmem>> -> memref<128xi32, #tpu.memory_space<vmem>>
        %dma_wait3A_144 = arith.constant 0 : i32
        %dma_wait3A_145 = arith.constant 0 : i32
        %dma_wait3A_146 = tpu.memref_slice %arg13[%dma_wait3A_144, %dma_wait3A_145] : memref<10240x64xf32, #tpu.memory_space<vmem_shared>> -> memref<10240x64xf32, #tpu.memory_space<vmem_shared>>
        tpu.wait_indirect_dma semaphore(%run_scoped3A_134 : memref<!tpu.dma_semaphore, #tpu.memory_space<semaphore_mem>>) src(%arg12 : memref<128x64xf32, #tpu.memory_space<vmem>>) dst(%dma_wait3A_146 : memref<10240x64xf32, #tpu.memory_space<vmem_shared>>)
        tpu.yield
      }) : () -> ()
      %add3A_126 = arith.constant 4 : i32
      %add3A_127 = arith.addi %add3A_119, %add3A_126 : i32
      %dma_start3A_128 = arith.constant 0 : i32
      %dma_start3A_129 = tpu.memref_slice %arg7[%add3A_127, %dma_start3A_128] : memref<160x128xi32, #tpu.memory_space<vmem>> -> memref<1x128xi32, #tpu.memory_space<vmem>>
      %dma_start3A_130 = tpu.memref_squeeze %dma_start3A_129 : memref<1x128xi32, #tpu.memory_space<vmem>> -> memref<128xi32, #tpu.memory_space<vmem>>
      %dma_start3A_131 = arith.constant 0 : i32
      %dma_start3A_132 = arith.constant 0 : i32
      %dma_start3A_133 = tpu.memref_slice %arg2[%dma_start3A_131, %dma_start3A_132] : memref<20480x64xf32, #tpu.memory_space<hbm>> -> memref<20480x64xf32, #tpu.memory_space<hbm>>
      tpu.enqueue_indirect_dma source(%dma_start3A_133 : memref<20480x64xf32, #tpu.memory_space<hbm>>) target(%arg12 : memref<128x64xf32, #tpu.memory_space<vmem>>) offsets(%dma_start3A_130 : memref<128xi32, #tpu.memory_space<vmem>>) semaphore(%arg17 : memref<!tpu.dma_semaphore, #tpu.memory_space<semaphore_mem>>)
    }
    %scan3A_36 = arith.constant 39 : i32
    %dma_wait3A = arith.constant 0 : i32
    %dma_wait3A_37 = arith.constant 0 : i32
    %dma_wait3A_38 = tpu.memref_slice %arg2[%dma_wait3A, %dma_wait3A_37] : memref<20480x64xf32, #tpu.memory_space<hbm>> -> memref<128x64xf32, #tpu.memory_space<hbm>>
    %dma_wait3A_39 = arith.constant 0 : i32
    %dma_wait3A_40 = arith.constant 0 : i32
    %dma_wait3A_41 = tpu.memref_slice %arg2[%dma_wait3A_39, %dma_wait3A_40] : memref<20480x64xf32, #tpu.memory_space<hbm>> -> memref<128x64xf32, #tpu.memory_space<hbm>>
    tpu.wait_dma2 semaphore(%arg14 : memref<!tpu.dma_semaphore, #tpu.memory_space<semaphore_mem>>) src(%dma_wait3A_41 : memref<128x64xf32, #tpu.memory_space<hbm>>) dst(%arg9 : memref<128x64xf32, #tpu.memory_space<vmem>>)
    %run_scoped3A = arith.constant 156 : i32
    "tpu.region"() ({
      %run_scoped3A_68 = tpu.sem_alloc : memref<!tpu.dma_semaphore, #tpu.memory_space<semaphore_mem>>
      %dma_start3A_69 = arith.constant 0 : i32
      %dma_start3A_70 = tpu.memref_slice %arg8[%run_scoped3A, %dma_start3A_69] : memref<160x128xi32, #tpu.memory_space<vmem>> -> memref<1x128xi32, #tpu.memory_space<vmem>>
      %dma_start3A_71 = tpu.memref_squeeze %dma_start3A_70 : memref<1x128xi32, #tpu.memory_space<vmem>> -> memref<128xi32, #tpu.memory_space<vmem>>
      %dma_start3A_72 = arith.constant 0 : i32
      %dma_start3A_73 = arith.constant 0 : i32
      %dma_start3A_74 = tpu.memref_slice %arg13[%dma_start3A_72, %dma_start3A_73] : memref<10240x64xf32, #tpu.memory_space<vmem_shared>> -> memref<10240x64xf32, #tpu.memory_space<vmem_shared>>
      tpu.enqueue_indirect_dma source(%arg9 : memref<128x64xf32, #tpu.memory_space<vmem>>) target(%dma_start3A_74 : memref<10240x64xf32, #tpu.memory_space<vmem_shared>>) offsets(%dma_start3A_71 : memref<128xi32, #tpu.memory_space<vmem>>) semaphore(%run_scoped3A_68 : memref<!tpu.dma_semaphore, #tpu.memory_space<semaphore_mem>>) {add = true}
      %dma_wait3A_75 = arith.constant 0 : i32
      %dma_wait3A_76 = tpu.memref_slice %arg8[%run_scoped3A, %dma_wait3A_75] : memref<160x128xi32, #tpu.memory_space<vmem>> -> memref<1x128xi32, #tpu.memory_space<vmem>>
      %dma_wait3A_77 = tpu.memref_squeeze %dma_wait3A_76 : memref<1x128xi32, #tpu.memory_space<vmem>> -> memref<128xi32, #tpu.memory_space<vmem>>
      %dma_wait3A_78 = arith.constant 0 : i32
      %dma_wait3A_79 = arith.constant 0 : i32
      %dma_wait3A_80 = tpu.memref_slice %arg13[%dma_wait3A_78, %dma_wait3A_79] : memref<10240x64xf32, #tpu.memory_space<vmem_shared>> -> memref<10240x64xf32, #tpu.memory_space<vmem_shared>>
      tpu.wait_indirect_dma semaphore(%run_scoped3A_68 : memref<!tpu.dma_semaphore, #tpu.memory_space<semaphore_mem>>) src(%arg9 : memref<128x64xf32, #tpu.memory_space<vmem>>) dst(%dma_wait3A_80 : memref<10240x64xf32, #tpu.memory_space<vmem_shared>>)
      tpu.yield
    }) : () -> ()
    %dma_wait3A_42 = arith.constant 0 : i32
    %dma_wait3A_43 = arith.constant 0 : i32
    %dma_wait3A_44 = tpu.memref_slice %arg2[%dma_wait3A_42, %dma_wait3A_43] : memref<20480x64xf32, #tpu.memory_space<hbm>> -> memref<128x64xf32, #tpu.memory_space<hbm>>
    %dma_wait3A_45 = arith.constant 0 : i32
    %dma_wait3A_46 = arith.constant 0 : i32
    %dma_wait3A_47 = tpu.memref_slice %arg2[%dma_wait3A_45, %dma_wait3A_46] : memref<20480x64xf32, #tpu.memory_space<hbm>> -> memref<128x64xf32, #tpu.memory_space<hbm>>
    tpu.wait_dma2 semaphore(%arg15 : memref<!tpu.dma_semaphore, #tpu.memory_space<semaphore_mem>>) src(%dma_wait3A_47 : memref<128x64xf32, #tpu.memory_space<hbm>>) dst(%arg10 : memref<128x64xf32, #tpu.memory_space<vmem>>)
    %run_scoped3A_48 = arith.constant 157 : i32
    "tpu.region"() ({
      %run_scoped3A_68 = tpu.sem_alloc : memref<!tpu.dma_semaphore, #tpu.memory_space<semaphore_mem>>
      %dma_start3A_69 = arith.constant 0 : i32
      %dma_start3A_70 = tpu.memref_slice %arg8[%run_scoped3A_48, %dma_start3A_69] : memref<160x128xi32, #tpu.memory_space<vmem>> -> memref<1x128xi32, #tpu.memory_space<vmem>>
      %dma_start3A_71 = tpu.memref_squeeze %dma_start3A_70 : memref<1x128xi32, #tpu.memory_space<vmem>> -> memref<128xi32, #tpu.memory_space<vmem>>
      %dma_start3A_72 = arith.constant 0 : i32
      %dma_start3A_73 = arith.constant 0 : i32
      %dma_start3A_74 = tpu.memref_slice %arg13[%dma_start3A_72, %dma_start3A_73] : memref<10240x64xf32, #tpu.memory_space<vmem_shared>> -> memref<10240x64xf32, #tpu.memory_space<vmem_shared>>
      tpu.enqueue_indirect_dma source(%arg10 : memref<128x64xf32, #tpu.memory_space<vmem>>) target(%dma_start3A_74 : memref<10240x64xf32, #tpu.memory_space<vmem_shared>>) offsets(%dma_start3A_71 : memref<128xi32, #tpu.memory_space<vmem>>) semaphore(%run_scoped3A_68 : memref<!tpu.dma_semaphore, #tpu.memory_space<semaphore_mem>>) {add = true}
      %dma_wait3A_75 = arith.constant 0 : i32
      %dma_wait3A_76 = tpu.memref_slice %arg8[%run_scoped3A_48, %dma_wait3A_75] : memref<160x128xi32, #tpu.memory_space<vmem>> -> memref<1x128xi32, #tpu.memory_space<vmem>>
      %dma_wait3A_77 = tpu.memref_squeeze %dma_wait3A_76 : memref<1x128xi32, #tpu.memory_space<vmem>> -> memref<128xi32, #tpu.memory_space<vmem>>
      %dma_wait3A_78 = arith.constant 0 : i32
      %dma_wait3A_79 = arith.constant 0 : i32
      %dma_wait3A_80 = tpu.memref_slice %arg13[%dma_wait3A_78, %dma_wait3A_79] : memref<10240x64xf32, #tpu.memory_space<vmem_shared>> -> memref<10240x64xf32, #tpu.memory_space<vmem_shared>>
      tpu.wait_indirect_dma semaphore(%run_scoped3A_68 : memref<!tpu.dma_semaphore, #tpu.memory_space<semaphore_mem>>) src(%arg10 : memref<128x64xf32, #tpu.memory_space<vmem>>) dst(%dma_wait3A_80 : memref<10240x64xf32, #tpu.memory_space<vmem_shared>>)
      tpu.yield
    }) : () -> ()
    %dma_wait3A_49 = arith.constant 0 : i32
    %dma_wait3A_50 = arith.constant 0 : i32
    %dma_wait3A_51 = tpu.memref_slice %arg2[%dma_wait3A_49, %dma_wait3A_50] : memref<20480x64xf32, #tpu.memory_space<hbm>> -> memref<128x64xf32, #tpu.memory_space<hbm>>
    %dma_wait3A_52 = arith.constant 0 : i32
    %dma_wait3A_53 = arith.constant 0 : i32
    %dma_wait3A_54 = tpu.memref_slice %arg2[%dma_wait3A_52, %dma_wait3A_53] : memref<20480x64xf32, #tpu.memory_space<hbm>> -> memref<128x64xf32, #tpu.memory_space<hbm>>
    tpu.wait_dma2 semaphore(%arg16 : memref<!tpu.dma_semaphore, #tpu.memory_space<semaphore_mem>>) src(%dma_wait3A_54 : memref<128x64xf32, #tpu.memory_space<hbm>>) dst(%arg11 : memref<128x64xf32, #tpu.memory_space<vmem>>)
    %run_scoped3A_55 = arith.constant 158 : i32
    "tpu.region"() ({
      %run_scoped3A_68 = tpu.sem_alloc : memref<!tpu.dma_semaphore, #tpu.memory_space<semaphore_mem>>
      %dma_start3A_69 = arith.constant 0 : i32
      %dma_start3A_70 = tpu.memref_slice %arg8[%run_scoped3A_55, %dma_start3A_69] : memref<160x128xi32, #tpu.memory_space<vmem>> -> memref<1x128xi32, #tpu.memory_space<vmem>>
      %dma_start3A_71 = tpu.memref_squeeze %dma_start3A_70 : memref<1x128xi32, #tpu.memory_space<vmem>> -> memref<128xi32, #tpu.memory_space<vmem>>
      %dma_start3A_72 = arith.constant 0 : i32
      %dma_start3A_73 = arith.constant 0 : i32
      %dma_start3A_74 = tpu.memref_slice %arg13[%dma_start3A_72, %dma_start3A_73] : memref<10240x64xf32, #tpu.memory_space<vmem_shared>> -> memref<10240x64xf32, #tpu.memory_space<vmem_shared>>
      tpu.enqueue_indirect_dma source(%arg11 : memref<128x64xf32, #tpu.memory_space<vmem>>) target(%dma_start3A_74 : memref<10240x64xf32, #tpu.memory_space<vmem_shared>>) offsets(%dma_start3A_71 : memref<128xi32, #tpu.memory_space<vmem>>) semaphore(%run_scoped3A_68 : memref<!tpu.dma_semaphore, #tpu.memory_space<semaphore_mem>>) {add = true}
      %dma_wait3A_75 = arith.constant 0 : i32
      %dma_wait3A_76 = tpu.memref_slice %arg8[%run_scoped3A_55, %dma_wait3A_75] : memref<160x128xi32, #tpu.memory_space<vmem>> -> memref<1x128xi32, #tpu.memory_space<vmem>>
      %dma_wait3A_77 = tpu.memref_squeeze %dma_wait3A_76 : memref<1x128xi32, #tpu.memory_space<vmem>> -> memref<128xi32, #tpu.memory_space<vmem>>
      %dma_wait3A_78 = arith.constant 0 : i32
      %dma_wait3A_79 = arith.constant 0 : i32
      %dma_wait3A_80 = tpu.memref_slice %arg13[%dma_wait3A_78, %dma_wait3A_79] : memref<10240x64xf32, #tpu.memory_space<vmem_shared>> -> memref<10240x64xf32, #tpu.memory_space<vmem_shared>>
      tpu.wait_indirect_dma semaphore(%run_scoped3A_68 : memref<!tpu.dma_semaphore, #tpu.memory_space<semaphore_mem>>) src(%arg11 : memref<128x64xf32, #tpu.memory_space<vmem>>) dst(%dma_wait3A_80 : memref<10240x64xf32, #tpu.memory_space<vmem_shared>>)
      tpu.yield
    }) : () -> ()
    %dma_wait3A_56 = arith.constant 0 : i32
    %dma_wait3A_57 = arith.constant 0 : i32
    %dma_wait3A_58 = tpu.memref_slice %arg2[%dma_wait3A_56, %dma_wait3A_57] : memref<20480x64xf32, #tpu.memory_space<hbm>> -> memref<128x64xf32, #tpu.memory_space<hbm>>
    %dma_wait3A_59 = arith.constant 0 : i32
    %dma_wait3A_60 = arith.constant 0 : i32
    %dma_wait3A_61 = tpu.memref_slice %arg2[%dma_wait3A_59, %dma_wait3A_60] : memref<20480x64xf32, #tpu.memory_space<hbm>> -> memref<128x64xf32, #tpu.memory_space<hbm>>
    tpu.wait_dma2 semaphore(%arg17 : memref<!tpu.dma_semaphore, #tpu.memory_space<semaphore_mem>>) src(%dma_wait3A_61 : memref<128x64xf32, #tpu.memory_space<hbm>>) dst(%arg12 : memref<128x64xf32, #tpu.memory_space<vmem>>)
    %run_scoped3A_62 = arith.constant 159 : i32
    "tpu.region"() ({
      %run_scoped3A_68 = tpu.sem_alloc : memref<!tpu.dma_semaphore, #tpu.memory_space<semaphore_mem>>
      %dma_start3A_69 = arith.constant 0 : i32
      %dma_start3A_70 = tpu.memref_slice %arg8[%run_scoped3A_62, %dma_start3A_69] : memref<160x128xi32, #tpu.memory_space<vmem>> -> memref<1x128xi32, #tpu.memory_space<vmem>>
      %dma_start3A_71 = tpu.memref_squeeze %dma_start3A_70 : memref<1x128xi32, #tpu.memory_space<vmem>> -> memref<128xi32, #tpu.memory_space<vmem>>
      %dma_start3A_72 = arith.constant 0 : i32
      %dma_start3A_73 = arith.constant 0 : i32
      %dma_start3A_74 = tpu.memref_slice %arg13[%dma_start3A_72, %dma_start3A_73] : memref<10240x64xf32, #tpu.memory_space<vmem_shared>> -> memref<10240x64xf32, #tpu.memory_space<vmem_shared>>
      tpu.enqueue_indirect_dma source(%arg12 : memref<128x64xf32, #tpu.memory_space<vmem>>) target(%dma_start3A_74 : memref<10240x64xf32, #tpu.memory_space<vmem_shared>>) offsets(%dma_start3A_71 : memref<128xi32, #tpu.memory_space<vmem>>) semaphore(%run_scoped3A_68 : memref<!tpu.dma_semaphore, #tpu.memory_space<semaphore_mem>>) {add = true}
      %dma_wait3A_75 = arith.constant 0 : i32
      %dma_wait3A_76 = tpu.memref_slice %arg8[%run_scoped3A_62, %dma_wait3A_75] : memref<160x128xi32, #tpu.memory_space<vmem>> -> memref<1x128xi32, #tpu.memory_space<vmem>>
      %dma_wait3A_77 = tpu.memref_squeeze %dma_wait3A_76 : memref<1x128xi32, #tpu.memory_space<vmem>> -> memref<128xi32, #tpu.memory_space<vmem>>
      %dma_wait3A_78 = arith.constant 0 : i32
      %dma_wait3A_79 = arith.constant 0 : i32
      %dma_wait3A_80 = tpu.memref_slice %arg13[%dma_wait3A_78, %dma_wait3A_79] : memref<10240x64xf32, #tpu.memory_space<vmem_shared>> -> memref<10240x64xf32, #tpu.memory_space<vmem_shared>>
      tpu.wait_indirect_dma semaphore(%run_scoped3A_68 : memref<!tpu.dma_semaphore, #tpu.memory_space<semaphore_mem>>) src(%arg12 : memref<128x64xf32, #tpu.memory_space<vmem>>) dst(%dma_wait3A_80 : memref<10240x64xf32, #tpu.memory_space<vmem_shared>>)
      tpu.yield
    }) : () -> ()
    %barrier3A_63 = arith.constant 0 : index
    tpu.barrier barrier_id(%barrier3A_63)
    %mul3A_64 = arith.constant 640 : i32
    %mul3A_65 = arith.muli %arg1, %mul3A_64 : i32
    %mul3A_66 = arith.constant 640 : i32
    %mul3A_67 = arith.muli %arg1, %mul3A_66 : i32
    "tpu.region"() ({
      %run_scoped3A_68 = tpu.sem_alloc : memref<!tpu.dma_semaphore, #tpu.memory_space<semaphore_mem>>
      %dma_start3A_69 = arith.constant 0 : i32
      %dma_start3A_70 = tpu.memref_slice %arg6[%arg0, %mul3A_67, %dma_start3A_69] : memref<2x10240x64xf32, #tpu.memory_space<hbm>> -> memref<1x640x64xf32, #tpu.memory_space<hbm>>
      %dma_start3A_71 = tpu.memref_squeeze %dma_start3A_70 : memref<1x640x64xf32, #tpu.memory_space<hbm>> -> memref<640x64xf32, #tpu.memory_space<hbm>>
      %dma_start3A_72 = arith.constant 0 : i32
      %dma_start3A_73 = tpu.memref_slice %arg13[%mul3A_65, %dma_start3A_72] : memref<10240x64xf32, #tpu.memory_space<vmem_shared>> -> memref<640x64xf32, #tpu.memory_space<vmem_shared>>
      tpu.enqueue_dma source(%dma_start3A_73 : memref<640x64xf32, #tpu.memory_space<vmem_shared>>) target(%dma_start3A_71 : memref<640x64xf32, #tpu.memory_space<hbm>>) target_semaphore(%run_scoped3A_68 : memref<!tpu.dma_semaphore, #tpu.memory_space<semaphore_mem>>)
      %dma_wait3A_74 = arith.constant 0 : i32
      %dma_wait3A_75 = tpu.memref_slice %arg6[%arg0, %mul3A_67, %dma_wait3A_74] : memref<2x10240x64xf32, #tpu.memory_space<hbm>> -> memref<1x640x64xf32, #tpu.memory_space<hbm>>
      %dma_wait3A_76 = tpu.memref_squeeze %dma_wait3A_75 : memref<1x640x64xf32, #tpu.memory_space<hbm>> -> memref<640x64xf32, #tpu.memory_space<hbm>>
      %dma_wait3A_77 = arith.constant 0 : i32
      %dma_wait3A_78 = tpu.memref_slice %arg13[%mul3A_65, %dma_wait3A_77] : memref<10240x64xf32, #tpu.memory_space<vmem_shared>> -> memref<640x64xf32, #tpu.memory_space<vmem_shared>>
      tpu.wait_dma2 semaphore(%run_scoped3A_68 : memref<!tpu.dma_semaphore, #tpu.memory_space<semaphore_mem>>) src(%dma_wait3A_78 : memref<640x64xf32, #tpu.memory_space<vmem_shared>>) dst(%dma_wait3A_76 : memref<640x64xf32, #tpu.memory_space<hbm>>)
      tpu.yield
    }) : () -> ()
    return
  }
}

#map = affine_map<(d0, d1) -> (0, 0)>
#map1 = affine_map<(d0, d1) -> (0, 0, 0)>
module attributes {stable_mosaic.version = 14 : i64} {
  func.func @_agg_body(%arg0: i32, %arg1: i32, %arg2: memref<20480x64xf32, #tpu.memory_space<hbm>>, %arg3: memref<2x2560x128xi32, #tpu.memory_space<hbm>>, %arg4: memref<2560x128xi32, #tpu.memory_space<hbm>>, %arg5: memref<640x64xf32, #tpu.memory_space<hbm>>, %arg6: memref<2x10240x64xf32, #tpu.memory_space<hbm>>, %arg7: memref<160x128xi32, #tpu.memory_space<vmem>>, %arg8: memref<160x128xi32, #tpu.memory_space<vmem>>, %arg9: memref<128x64xf32, #tpu.memory_space<vmem>>, %arg10: memref<128x64xf32, #tpu.memory_space<vmem>>, %arg11: memref<128x64xf32, #tpu.memory_space<vmem>>, %arg12: memref<128x64xf32, #tpu.memory_space<vmem>>, %arg13: memref<10240x64xf32, #tpu.memory_space<vmem_shared>>, %arg14: memref<!tpu.dma_semaphore, #tpu.memory_space<semaphore_mem>>, %arg15: memref<!tpu.dma_semaphore, #tpu.memory_space<semaphore_mem>>, %arg16: memref<!tpu.dma_semaphore, #tpu.memory_space<semaphore_mem>>, %arg17: memref<!tpu.dma_semaphore, #tpu.memory_space<semaphore_mem>>) attributes {dimension_semantics = [#tpu.dimension_semantics<core_parallel>, #tpu.dimension_semantics<subcore_parallel>], iteration_bounds = array<i64: 2, 16>, scalar_prefetch = 0 : i64, scratch_operands = 11 : i64, tpu.core_type = #tpu.core_type<sc_vector_subcore>, window_params = [{transform_indices = #map}, {transform_indices = #map1}, {transform_indices = #map}, {transform_indices = #map}, {transform_indices = #map1}]} {
    %mul3A = arith.constant 640 : i32
    %mul3A_0 = arith.muli %arg1, %mul3A : i32
    "tpu.region"() ({
      %run_scoped3A_68 = tpu.sem_alloc : memref<!tpu.dma_semaphore, #tpu.memory_space<semaphore_mem>>
      %dma_start3A_69 = arith.constant 0 : i32
      %dma_start3A_70 = tpu.memref_slice %arg13[%mul3A_0, %dma_start3A_69] : memref<10240x64xf32, #tpu.memory_space<vmem_shared>> -> memref<640x64xf32, #tpu.memory_space<vmem_shared>>
      tpu.enqueue_dma source(%arg5 : memref<640x64xf32, #tpu.memory_space<hbm>>) target(%dma_start3A_70 : memref<640x64xf32, #tpu.memory_space<vmem_shared>>) target_semaphore(%run_scoped3A_68 : memref<!tpu.dma_semaphore, #tpu.memory_space<semaphore_mem>>)
      %dma_wait3A_71 = arith.constant 0 : i32
      %dma_wait3A_72 = tpu.memref_slice %arg13[%mul3A_0, %dma_wait3A_71] : memref<10240x64xf32, #tpu.memory_space<vmem_shared>> -> memref<640x64xf32, #tpu.memory_space<vmem_shared>>
      tpu.wait_dma2 semaphore(%run_scoped3A_68 : memref<!tpu.dma_semaphore, #tpu.memory_space<semaphore_mem>>) src(%arg5 : memref<640x64xf32, #tpu.memory_space<hbm>>) dst(%dma_wait3A_72 : memref<640x64xf32, #tpu.memory_space<vmem_shared>>)
      tpu.yield
    }) : () -> ()
    %mul3A_1 = arith.constant 160 : i32
    %mul3A_2 = arith.muli %arg1, %mul3A_1 : i32
    "tpu.region"() ({
      %run_scoped3A_68 = tpu.sem_alloc : memref<!tpu.dma_semaphore, #tpu.memory_space<semaphore_mem>>
      %dma_start3A_69 = arith.constant 0 : i32
      %dma_start3A_70 = tpu.memref_slice %arg3[%arg0, %mul3A_2, %dma_start3A_69] : memref<2x2560x128xi32, #tpu.memory_space<hbm>> -> memref<1x160x128xi32, #tpu.memory_space<hbm>>
      %dma_start3A_71 = tpu.memref_squeeze %dma_start3A_70 : memref<1x160x128xi32, #tpu.memory_space<hbm>> -> memref<160x128xi32, #tpu.memory_space<hbm>>
      %dma_start3A_72 = arith.constant 0 : i32
      %dma_start3A_73 = tpu.memref_slice %arg3[%arg0, %mul3A_2, %dma_start3A_72] : memref<2x2560x128xi32, #tpu.memory_space<hbm>> -> memref<1x160x128xi32, #tpu.memory_space<hbm>>
      %dma_start3A_74 = tpu.memref_squeeze %dma_start3A_73 : memref<1x160x128xi32, #tpu.memory_space<hbm>> -> memref<160x128xi32, #tpu.memory_space<hbm>>
      tpu.enqueue_dma source(%dma_start3A_74 : memref<160x128xi32, #tpu.memory_space<hbm>>) target(%arg7 : memref<160x128xi32, #tpu.memory_space<vmem>>) target_semaphore(%run_scoped3A_68 : memref<!tpu.dma_semaphore, #tpu.memory_space<semaphore_mem>>)
      %dma_wait3A_75 = arith.constant 0 : i32
      %dma_wait3A_76 = tpu.memref_slice %arg3[%arg0, %mul3A_2, %dma_wait3A_75] : memref<2x2560x128xi32, #tpu.memory_space<hbm>> -> memref<1x160x128xi32, #tpu.memory_space<hbm>>
      %dma_wait3A_77 = tpu.memref_squeeze %dma_wait3A_76 : memref<1x160x128xi32, #tpu.memory_space<hbm>> -> memref<160x128xi32, #tpu.memory_space<hbm>>
      %dma_wait3A_78 = arith.constant 0 : i32
      %dma_wait3A_79 = tpu.memref_slice %arg3[%arg0, %mul3A_2, %dma_wait3A_78] : memref<2x2560x128xi32, #tpu.memory_space<hbm>> -> memref<1x160x128xi32, #tpu.memory_space<hbm>>
      %dma_wait3A_80 = tpu.memref_squeeze %dma_wait3A_79 : memref<1x160x128xi32, #tpu.memory_space<hbm>> -> memref<160x128xi32, #tpu.memory_space<hbm>>
      tpu.wait_dma2 semaphore(%run_scoped3A_68 : memref<!tpu.dma_semaphore, #tpu.memory_space<semaphore_mem>>) src(%dma_wait3A_80 : memref<160x128xi32, #tpu.memory_space<hbm>>) dst(%arg7 : memref<160x128xi32, #tpu.memory_space<vmem>>)
      tpu.yield
    }) : () -> ()
    %mul3A_3 = arith.constant 160 : i32
    %mul3A_4 = arith.muli %arg1, %mul3A_3 : i32
    "tpu.region"() ({
      %run_scoped3A_68 = tpu.sem_alloc : memref<!tpu.dma_semaphore, #tpu.memory_space<semaphore_mem>>
      %dma_start3A_69 = arith.constant 0 : i32
      %dma_start3A_70 = tpu.memref_slice %arg4[%mul3A_4, %dma_start3A_69] : memref<2560x128xi32, #tpu.memory_space<hbm>> -> memref<160x128xi32, #tpu.memory_space<hbm>>
      %dma_start3A_71 = arith.constant 0 : i32
      %dma_start3A_72 = tpu.memref_slice %arg4[%mul3A_4, %dma_start3A_71] : memref<2560x128xi32, #tpu.memory_space<hbm>> -> memref<160x128xi32, #tpu.memory_space<hbm>>
      tpu.enqueue_dma source(%dma_start3A_72 : memref<160x128xi32, #tpu.memory_space<hbm>>) target(%arg8 : memref<160x128xi32, #tpu.memory_space<vmem>>) target_semaphore(%run_scoped3A_68 : memref<!tpu.dma_semaphore, #tpu.memory_space<semaphore_mem>>)
      %dma_wait3A_73 = arith.constant 0 : i32
      %dma_wait3A_74 = tpu.memref_slice %arg4[%mul3A_4, %dma_wait3A_73] : memref<2560x128xi32, #tpu.memory_space<hbm>> -> memref<160x128xi32, #tpu.memory_space<hbm>>
      %dma_wait3A_75 = arith.constant 0 : i32
      %dma_wait3A_76 = tpu.memref_slice %arg4[%mul3A_4, %dma_wait3A_75] : memref<2560x128xi32, #tpu.memory_space<hbm>> -> memref<160x128xi32, #tpu.memory_space<hbm>>
      tpu.wait_dma2 semaphore(%run_scoped3A_68 : memref<!tpu.dma_semaphore, #tpu.memory_space<semaphore_mem>>) src(%dma_wait3A_76 : memref<160x128xi32, #tpu.memory_space<hbm>>) dst(%arg8 : memref<160x128xi32, #tpu.memory_space<vmem>>)
      tpu.yield
    }) : () -> ()
    %dma_start3A = arith.constant 0 : i32
    %dma_start3A_5 = arith.constant 0 : i32
    %dma_start3A_6 = tpu.memref_slice %arg7[%dma_start3A, %dma_start3A_5] : memref<160x128xi32, #tpu.memory_space<vmem>> -> memref<1x128xi32, #tpu.memory_space<vmem>>
    %dma_start3A_7 = tpu.memref_squeeze %dma_start3A_6 : memref<1x128xi32, #tpu.memory_space<vmem>> -> memref<128xi32, #tpu.memory_space<vmem>>
    %dma_start3A_8 = arith.constant 0 : i32
    %dma_start3A_9 = arith.constant 0 : i32
    %dma_start3A_10 = tpu.memref_slice %arg2[%dma_start3A_8, %dma_start3A_9] : memref<20480x64xf32, #tpu.memory_space<hbm>> -> memref<20480x64xf32, #tpu.memory_space<hbm>>
    tpu.enqueue_indirect_dma source(%dma_start3A_10 : memref<20480x64xf32, #tpu.memory_space<hbm>>) target(%arg9 : memref<128x64xf32, #tpu.memory_space<vmem>>) offsets(%dma_start3A_7 : memref<128xi32, #tpu.memory_space<vmem>>) semaphore(%arg14 : memref<!tpu.dma_semaphore, #tpu.memory_space<semaphore_mem>>)
    %dma_start3A_11 = arith.constant 1 : i32
    %dma_start3A_12 = arith.constant 0 : i32
    %dma_start3A_13 = tpu.memref_slice %arg7[%dma_start3A_11, %dma_start3A_12] : memref<160x128xi32, #tpu.memory_space<vmem>> -> memref<1x128xi32, #tpu.memory_space<vmem>>
    %dma_start3A_14 = tpu.memref_squeeze %dma_start3A_13 : memref<1x128xi32, #tpu.memory_space<vmem>> -> memref<128xi32, #tpu.memory_space<vmem>>
    %dma_start3A_15 = arith.constant 0 : i32
    %dma_start3A_16 = arith.constant 0 : i32
    %dma_start3A_17 = tpu.memref_slice %arg2[%dma_start3A_15, %dma_start3A_16] : memref<20480x64xf32, #tpu.memory_space<hbm>> -> memref<20480x64xf32, #tpu.memory_space<hbm>>
    tpu.enqueue_indirect_dma source(%dma_start3A_17 : memref<20480x64xf32, #tpu.memory_space<hbm>>) target(%arg10 : memref<128x64xf32, #tpu.memory_space<vmem>>) offsets(%dma_start3A_14 : memref<128xi32, #tpu.memory_space<vmem>>) semaphore(%arg15 : memref<!tpu.dma_semaphore, #tpu.memory_space<semaphore_mem>>)
    %dma_start3A_18 = arith.constant 2 : i32
    %dma_start3A_19 = arith.constant 0 : i32
    %dma_start3A_20 = tpu.memref_slice %arg7[%dma_start3A_18, %dma_start3A_19] : memref<160x128xi32, #tpu.memory_space<vmem>> -> memref<1x128xi32, #tpu.memory_space<vmem>>
    %dma_start3A_21 = tpu.memref_squeeze %dma_start3A_20 : memref<1x128xi32, #tpu.memory_space<vmem>> -> memref<128xi32, #tpu.memory_space<vmem>>
    %dma_start3A_22 = arith.constant 0 : i32
    %dma_start3A_23 = arith.constant 0 : i32
    %dma_start3A_24 = tpu.memref_slice %arg2[%dma_start3A_22, %dma_start3A_23] : memref<20480x64xf32, #tpu.memory_space<hbm>> -> memref<20480x64xf32, #tpu.memory_space<hbm>>
    tpu.enqueue_indirect_dma source(%dma_start3A_24 : memref<20480x64xf32, #tpu.memory_space<hbm>>) target(%arg11 : memref<128x64xf32, #tpu.memory_space<vmem>>) offsets(%dma_start3A_21 : memref<128xi32, #tpu.memory_space<vmem>>) semaphore(%arg16 : memref<!tpu.dma_semaphore, #tpu.memory_space<semaphore_mem>>)
    %dma_start3A_25 = arith.constant 3 : i32
    %dma_start3A_26 = arith.constant 0 : i32
    %dma_start3A_27 = tpu.memref_slice %arg7[%dma_start3A_25, %dma_start3A_26] : memref<160x128xi32, #tpu.memory_space<vmem>> -> memref<1x128xi32, #tpu.memory_space<vmem>>
    %dma_start3A_28 = tpu.memref_squeeze %dma_start3A_27 : memref<1x128xi32, #tpu.memory_space<vmem>> -> memref<128xi32, #tpu.memory_space<vmem>>
    %dma_start3A_29 = arith.constant 0 : i32
    %dma_start3A_30 = arith.constant 0 : i32
    %dma_start3A_31 = tpu.memref_slice %arg2[%dma_start3A_29, %dma_start3A_30] : memref<20480x64xf32, #tpu.memory_space<hbm>> -> memref<20480x64xf32, #tpu.memory_space<hbm>>
    tpu.enqueue_indirect_dma source(%dma_start3A_31 : memref<20480x64xf32, #tpu.memory_space<hbm>>) target(%arg12 : memref<128x64xf32, #tpu.memory_space<vmem>>) offsets(%dma_start3A_28 : memref<128xi32, #tpu.memory_space<vmem>>) semaphore(%arg17 : memref<!tpu.dma_semaphore, #tpu.memory_space<semaphore_mem>>)
    %barrier3A = arith.constant 0 : index
    tpu.barrier barrier_id(%barrier3A)
    %scan3A = arith.constant 0 : i32
    %scan3A_32 = arith.constant 0 : i32
    %scan3A_33 = arith.constant 39 : i32
    %scan3A_34 = arith.addi %scan3A_32, %scan3A_33 : i32
    %scan3A_35 = arith.constant 1 : i32
    scf.for %scan3A_68 = %scan3A_32 to %scan3A_34 step %scan3A_35  : i32 {
      %mul3A_69 = arith.constant 4 : i32
      %mul3A_70 = arith.muli %scan3A_68, %mul3A_69 : i32
      %add3A = arith.constant 0 : i32
      %add3A_71 = arith.addi %mul3A_70, %add3A : i32
      %dma_wait3A_72 = arith.constant 0 : i32
      %dma_wait3A_73 = arith.constant 0 : i32
      %dma_wait3A_74 = tpu.memref_slice %arg2[%dma_wait3A_72, %dma_wait3A_73] : memref<20480x64xf32, #tpu.memory_space<hbm>> -> memref<128x64xf32, #tpu.memory_space<hbm>>
      %dma_wait3A_75 = arith.constant 0 : i32
      %dma_wait3A_76 = arith.constant 0 : i32
      %dma_wait3A_77 = tpu.memref_slice %arg2[%dma_wait3A_75, %dma_wait3A_76] : memref<20480x64xf32, #tpu.memory_space<hbm>> -> memref<128x64xf32, #tpu.memory_space<hbm>>
      tpu.wait_dma2 semaphore(%arg14 : memref<!tpu.dma_semaphore, #tpu.memory_space<semaphore_mem>>) src(%dma_wait3A_77 : memref<128x64xf32, #tpu.memory_space<hbm>>) dst(%arg9 : memref<128x64xf32, #tpu.memory_space<vmem>>)
      "tpu.region"() ({
        %run_scoped3A_134 = tpu.sem_alloc : memref<!tpu.dma_semaphore, #tpu.memory_space<semaphore_mem>>
        %dma_start3A_135 = arith.constant 0 : i32
        %dma_start3A_136 = tpu.memref_slice %arg8[%add3A_71, %dma_start3A_135] : memref<160x128xi32, #tpu.memory_space<vmem>> -> memref<1x128xi32, #tpu.memory_space<vmem>>
        %dma_start3A_137 = tpu.memref_squeeze %dma_start3A_136 : memref<1x128xi32, #tpu.memory_space<vmem>> -> memref<128xi32, #tpu.memory_space<vmem>>
        %dma_start3A_138 = arith.constant 0 : i32
        %dma_start3A_139 = arith.constant 0 : i32
        %dma_start3A_140 = tpu.memref_slice %arg13[%dma_start3A_138, %dma_start3A_139] : memref<10240x64xf32, #tpu.memory_space<vmem_shared>> -> memref<10240x64xf32, #tpu.memory_space<vmem_shared>>
        tpu.enqueue_indirect_dma source(%arg9 : memref<128x64xf32, #tpu.memory_space<vmem>>) target(%dma_start3A_140 : memref<10240x64xf32, #tpu.memory_space<vmem_shared>>) offsets(%dma_start3A_137 : memref<128xi32, #tpu.memory_space<vmem>>) semaphore(%run_scoped3A_134 : memref<!tpu.dma_semaphore, #tpu.memory_space<semaphore_mem>>) {add = true}
        %dma_wait3A_141 = arith.constant 0 : i32
        %dma_wait3A_142 = tpu.memref_slice %arg8[%add3A_71, %dma_wait3A_141] : memref<160x128xi32, #tpu.memory_space<vmem>> -> memref<1x128xi32, #tpu.memory_space<vmem>>
        %dma_wait3A_143 = tpu.memref_squeeze %dma_wait3A_142 : memref<1x128xi32, #tpu.memory_space<vmem>> -> memref<128xi32, #tpu.memory_space<vmem>>
        %dma_wait3A_144 = arith.constant 0 : i32
        %dma_wait3A_145 = arith.constant 0 : i32
        %dma_wait3A_146 = tpu.memref_slice %arg13[%dma_wait3A_144, %dma_wait3A_145] : memref<10240x64xf32, #tpu.memory_space<vmem_shared>> -> memref<10240x64xf32, #tpu.memory_space<vmem_shared>>
        tpu.wait_indirect_dma semaphore(%run_scoped3A_134 : memref<!tpu.dma_semaphore, #tpu.memory_space<semaphore_mem>>) src(%arg9 : memref<128x64xf32, #tpu.memory_space<vmem>>) dst(%dma_wait3A_146 : memref<10240x64xf32, #tpu.memory_space<vmem_shared>>)
        tpu.yield
      }) : () -> ()
      %add3A_78 = arith.constant 4 : i32
      %add3A_79 = arith.addi %add3A_71, %add3A_78 : i32
      %dma_start3A_80 = arith.constant 0 : i32
      %dma_start3A_81 = tpu.memref_slice %arg7[%add3A_79, %dma_start3A_80] : memref<160x128xi32, #tpu.memory_space<vmem>> -> memref<1x128xi32, #tpu.memory_space<vmem>>
      %dma_start3A_82 = tpu.memref_squeeze %dma_start3A_81 : memref<1x128xi32, #tpu.memory_space<vmem>> -> memref<128xi32, #tpu.memory_space<vmem>>
      %dma_start3A_83 = arith.constant 0 : i32
      %dma_start3A_84 = arith.constant 0 : i32
      %dma_start3A_85 = tpu.memref_slice %arg2[%dma_start3A_83, %dma_start3A_84] : memref<20480x64xf32, #tpu.memory_space<hbm>> -> memref<20480x64xf32, #tpu.memory_space<hbm>>
      tpu.enqueue_indirect_dma source(%dma_start3A_85 : memref<20480x64xf32, #tpu.memory_space<hbm>>) target(%arg9 : memref<128x64xf32, #tpu.memory_space<vmem>>) offsets(%dma_start3A_82 : memref<128xi32, #tpu.memory_space<vmem>>) semaphore(%arg14 : memref<!tpu.dma_semaphore, #tpu.memory_space<semaphore_mem>>)
      %add3A_86 = arith.constant 1 : i32
      %add3A_87 = arith.addi %mul3A_70, %add3A_86 : i32
      %dma_wait3A_88 = arith.constant 0 : i32
      %dma_wait3A_89 = arith.constant 0 : i32
      %dma_wait3A_90 = tpu.memref_slice %arg2[%dma_wait3A_88, %dma_wait3A_89] : memref<20480x64xf32, #tpu.memory_space<hbm>> -> memref<128x64xf32, #tpu.memory_space<hbm>>
      %dma_wait3A_91 = arith.constant 0 : i32
      %dma_wait3A_92 = arith.constant 0 : i32
      %dma_wait3A_93 = tpu.memref_slice %arg2[%dma_wait3A_91, %dma_wait3A_92] : memref<20480x64xf32, #tpu.memory_space<hbm>> -> memref<128x64xf32, #tpu.memory_space<hbm>>
      tpu.wait_dma2 semaphore(%arg15 : memref<!tpu.dma_semaphore, #tpu.memory_space<semaphore_mem>>) src(%dma_wait3A_93 : memref<128x64xf32, #tpu.memory_space<hbm>>) dst(%arg10 : memref<128x64xf32, #tpu.memory_space<vmem>>)
      "tpu.region"() ({
        %run_scoped3A_134 = tpu.sem_alloc : memref<!tpu.dma_semaphore, #tpu.memory_space<semaphore_mem>>
        %dma_start3A_135 = arith.constant 0 : i32
        %dma_start3A_136 = tpu.memref_slice %arg8[%add3A_87, %dma_start3A_135] : memref<160x128xi32, #tpu.memory_space<vmem>> -> memref<1x128xi32, #tpu.memory_space<vmem>>
        %dma_start3A_137 = tpu.memref_squeeze %dma_start3A_136 : memref<1x128xi32, #tpu.memory_space<vmem>> -> memref<128xi32, #tpu.memory_space<vmem>>
        %dma_start3A_138 = arith.constant 0 : i32
        %dma_start3A_139 = arith.constant 0 : i32
        %dma_start3A_140 = tpu.memref_slice %arg13[%dma_start3A_138, %dma_start3A_139] : memref<10240x64xf32, #tpu.memory_space<vmem_shared>> -> memref<10240x64xf32, #tpu.memory_space<vmem_shared>>
        tpu.enqueue_indirect_dma source(%arg10 : memref<128x64xf32, #tpu.memory_space<vmem>>) target(%dma_start3A_140 : memref<10240x64xf32, #tpu.memory_space<vmem_shared>>) offsets(%dma_start3A_137 : memref<128xi32, #tpu.memory_space<vmem>>) semaphore(%run_scoped3A_134 : memref<!tpu.dma_semaphore, #tpu.memory_space<semaphore_mem>>) {add = true}
        %dma_wait3A_141 = arith.constant 0 : i32
        %dma_wait3A_142 = tpu.memref_slice %arg8[%add3A_87, %dma_wait3A_141] : memref<160x128xi32, #tpu.memory_space<vmem>> -> memref<1x128xi32, #tpu.memory_space<vmem>>
        %dma_wait3A_143 = tpu.memref_squeeze %dma_wait3A_142 : memref<1x128xi32, #tpu.memory_space<vmem>> -> memref<128xi32, #tpu.memory_space<vmem>>
        %dma_wait3A_144 = arith.constant 0 : i32
        %dma_wait3A_145 = arith.constant 0 : i32
        %dma_wait3A_146 = tpu.memref_slice %arg13[%dma_wait3A_144, %dma_wait3A_145] : memref<10240x64xf32, #tpu.memory_space<vmem_shared>> -> memref<10240x64xf32, #tpu.memory_space<vmem_shared>>
        tpu.wait_indirect_dma semaphore(%run_scoped3A_134 : memref<!tpu.dma_semaphore, #tpu.memory_space<semaphore_mem>>) src(%arg10 : memref<128x64xf32, #tpu.memory_space<vmem>>) dst(%dma_wait3A_146 : memref<10240x64xf32, #tpu.memory_space<vmem_shared>>)
        tpu.yield
      }) : () -> ()
      %add3A_94 = arith.constant 4 : i32
      %add3A_95 = arith.addi %add3A_87, %add3A_94 : i32
      %dma_start3A_96 = arith.constant 0 : i32
      %dma_start3A_97 = tpu.memref_slice %arg7[%add3A_95, %dma_start3A_96] : memref<160x128xi32, #tpu.memory_space<vmem>> -> memref<1x128xi32, #tpu.memory_space<vmem>>
      %dma_start3A_98 = tpu.memref_squeeze %dma_start3A_97 : memref<1x128xi32, #tpu.memory_space<vmem>> -> memref<128xi32, #tpu.memory_space<vmem>>
      %dma_start3A_99 = arith.constant 0 : i32
      %dma_start3A_100 = arith.constant 0 : i32
      %dma_start3A_101 = tpu.memref_slice %arg2[%dma_start3A_99, %dma_start3A_100] : memref<20480x64xf32, #tpu.memory_space<hbm>> -> memref<20480x64xf32, #tpu.memory_space<hbm>>
      tpu.enqueue_indirect_dma source(%dma_start3A_101 : memref<20480x64xf32, #tpu.memory_space<hbm>>) target(%arg10 : memref<128x64xf32, #tpu.memory_space<vmem>>) offsets(%dma_start3A_98 : memref<128xi32, #tpu.memory_space<vmem>>) semaphore(%arg15 : memref<!tpu.dma_semaphore, #tpu.memory_space<semaphore_mem>>)
      %add3A_102 = arith.constant 2 : i32
      %add3A_103 = arith.addi %mul3A_70, %add3A_102 : i32
      %dma_wait3A_104 = arith.constant 0 : i32
      %dma_wait3A_105 = arith.constant 0 : i32
      %dma_wait3A_106 = tpu.memref_slice %arg2[%dma_wait3A_104, %dma_wait3A_105] : memref<20480x64xf32, #tpu.memory_space<hbm>> -> memref<128x64xf32, #tpu.memory_space<hbm>>
      %dma_wait3A_107 = arith.constant 0 : i32
      %dma_wait3A_108 = arith.constant 0 : i32
      %dma_wait3A_109 = tpu.memref_slice %arg2[%dma_wait3A_107, %dma_wait3A_108] : memref<20480x64xf32, #tpu.memory_space<hbm>> -> memref<128x64xf32, #tpu.memory_space<hbm>>
      tpu.wait_dma2 semaphore(%arg16 : memref<!tpu.dma_semaphore, #tpu.memory_space<semaphore_mem>>) src(%dma_wait3A_109 : memref<128x64xf32, #tpu.memory_space<hbm>>) dst(%arg11 : memref<128x64xf32, #tpu.memory_space<vmem>>)
      "tpu.region"() ({
        %run_scoped3A_134 = tpu.sem_alloc : memref<!tpu.dma_semaphore, #tpu.memory_space<semaphore_mem>>
        %dma_start3A_135 = arith.constant 0 : i32
        %dma_start3A_136 = tpu.memref_slice %arg8[%add3A_103, %dma_start3A_135] : memref<160x128xi32, #tpu.memory_space<vmem>> -> memref<1x128xi32, #tpu.memory_space<vmem>>
        %dma_start3A_137 = tpu.memref_squeeze %dma_start3A_136 : memref<1x128xi32, #tpu.memory_space<vmem>> -> memref<128xi32, #tpu.memory_space<vmem>>
        %dma_start3A_138 = arith.constant 0 : i32
        %dma_start3A_139 = arith.constant 0 : i32
        %dma_start3A_140 = tpu.memref_slice %arg13[%dma_start3A_138, %dma_start3A_139] : memref<10240x64xf32, #tpu.memory_space<vmem_shared>> -> memref<10240x64xf32, #tpu.memory_space<vmem_shared>>
        tpu.enqueue_indirect_dma source(%arg11 : memref<128x64xf32, #tpu.memory_space<vmem>>) target(%dma_start3A_140 : memref<10240x64xf32, #tpu.memory_space<vmem_shared>>) offsets(%dma_start3A_137 : memref<128xi32, #tpu.memory_space<vmem>>) semaphore(%run_scoped3A_134 : memref<!tpu.dma_semaphore, #tpu.memory_space<semaphore_mem>>) {add = true}
        %dma_wait3A_141 = arith.constant 0 : i32
        %dma_wait3A_142 = tpu.memref_slice %arg8[%add3A_103, %dma_wait3A_141] : memref<160x128xi32, #tpu.memory_space<vmem>> -> memref<1x128xi32, #tpu.memory_space<vmem>>
        %dma_wait3A_143 = tpu.memref_squeeze %dma_wait3A_142 : memref<1x128xi32, #tpu.memory_space<vmem>> -> memref<128xi32, #tpu.memory_space<vmem>>
        %dma_wait3A_144 = arith.constant 0 : i32
        %dma_wait3A_145 = arith.constant 0 : i32
        %dma_wait3A_146 = tpu.memref_slice %arg13[%dma_wait3A_144, %dma_wait3A_145] : memref<10240x64xf32, #tpu.memory_space<vmem_shared>> -> memref<10240x64xf32, #tpu.memory_space<vmem_shared>>
        tpu.wait_indirect_dma semaphore(%run_scoped3A_134 : memref<!tpu.dma_semaphore, #tpu.memory_space<semaphore_mem>>) src(%arg11 : memref<128x64xf32, #tpu.memory_space<vmem>>) dst(%dma_wait3A_146 : memref<10240x64xf32, #tpu.memory_space<vmem_shared>>)
        tpu.yield
      }) : () -> ()
      %add3A_110 = arith.constant 4 : i32
      %add3A_111 = arith.addi %add3A_103, %add3A_110 : i32
      %dma_start3A_112 = arith.constant 0 : i32
      %dma_start3A_113 = tpu.memref_slice %arg7[%add3A_111, %dma_start3A_112] : memref<160x128xi32, #tpu.memory_space<vmem>> -> memref<1x128xi32, #tpu.memory_space<vmem>>
      %dma_start3A_114 = tpu.memref_squeeze %dma_start3A_113 : memref<1x128xi32, #tpu.memory_space<vmem>> -> memref<128xi32, #tpu.memory_space<vmem>>
      %dma_start3A_115 = arith.constant 0 : i32
      %dma_start3A_116 = arith.constant 0 : i32
      %dma_start3A_117 = tpu.memref_slice %arg2[%dma_start3A_115, %dma_start3A_116] : memref<20480x64xf32, #tpu.memory_space<hbm>> -> memref<20480x64xf32, #tpu.memory_space<hbm>>
      tpu.enqueue_indirect_dma source(%dma_start3A_117 : memref<20480x64xf32, #tpu.memory_space<hbm>>) target(%arg11 : memref<128x64xf32, #tpu.memory_space<vmem>>) offsets(%dma_start3A_114 : memref<128xi32, #tpu.memory_space<vmem>>) semaphore(%arg16 : memref<!tpu.dma_semaphore, #tpu.memory_space<semaphore_mem>>)
      %add3A_118 = arith.constant 3 : i32
      %add3A_119 = arith.addi %mul3A_70, %add3A_118 : i32
      %dma_wait3A_120 = arith.constant 0 : i32
      %dma_wait3A_121 = arith.constant 0 : i32
      %dma_wait3A_122 = tpu.memref_slice %arg2[%dma_wait3A_120, %dma_wait3A_121] : memref<20480x64xf32, #tpu.memory_space<hbm>> -> memref<128x64xf32, #tpu.memory_space<hbm>>
      %dma_wait3A_123 = arith.constant 0 : i32
      %dma_wait3A_124 = arith.constant 0 : i32
      %dma_wait3A_125 = tpu.memref_slice %arg2[%dma_wait3A_123, %dma_wait3A_124] : memref<20480x64xf32, #tpu.memory_space<hbm>> -> memref<128x64xf32, #tpu.memory_space<hbm>>
      tpu.wait_dma2 semaphore(%arg17 : memref<!tpu.dma_semaphore, #tpu.memory_space<semaphore_mem>>) src(%dma_wait3A_125 : memref<128x64xf32, #tpu.memory_space<hbm>>) dst(%arg12 : memref<128x64xf32, #tpu.memory_space<vmem>>)
      "tpu.region"() ({
        %run_scoped3A_134 = tpu.sem_alloc : memref<!tpu.dma_semaphore, #tpu.memory_space<semaphore_mem>>
        %dma_start3A_135 = arith.constant 0 : i32
        %dma_start3A_136 = tpu.memref_slice %arg8[%add3A_119, %dma_start3A_135] : memref<160x128xi32, #tpu.memory_space<vmem>> -> memref<1x128xi32, #tpu.memory_space<vmem>>
        %dma_start3A_137 = tpu.memref_squeeze %dma_start3A_136 : memref<1x128xi32, #tpu.memory_space<vmem>> -> memref<128xi32, #tpu.memory_space<vmem>>
        %dma_start3A_138 = arith.constant 0 : i32
        %dma_start3A_139 = arith.constant 0 : i32
        %dma_start3A_140 = tpu.memref_slice %arg13[%dma_start3A_138, %dma_start3A_139] : memref<10240x64xf32, #tpu.memory_space<vmem_shared>> -> memref<10240x64xf32, #tpu.memory_space<vmem_shared>>
        tpu.enqueue_indirect_dma source(%arg12 : memref<128x64xf32, #tpu.memory_space<vmem>>) target(%dma_start3A_140 : memref<10240x64xf32, #tpu.memory_space<vmem_shared>>) offsets(%dma_start3A_137 : memref<128xi32, #tpu.memory_space<vmem>>) semaphore(%run_scoped3A_134 : memref<!tpu.dma_semaphore, #tpu.memory_space<semaphore_mem>>) {add = true}
        %dma_wait3A_141 = arith.constant 0 : i32
        %dma_wait3A_142 = tpu.memref_slice %arg8[%add3A_119, %dma_wait3A_141] : memref<160x128xi32, #tpu.memory_space<vmem>> -> memref<1x128xi32, #tpu.memory_space<vmem>>
        %dma_wait3A_143 = tpu.memref_squeeze %dma_wait3A_142 : memref<1x128xi32, #tpu.memory_space<vmem>> -> memref<128xi32, #tpu.memory_space<vmem>>
        %dma_wait3A_144 = arith.constant 0 : i32
        %dma_wait3A_145 = arith.constant 0 : i32
        %dma_wait3A_146 = tpu.memref_slice %arg13[%dma_wait3A_144, %dma_wait3A_145] : memref<10240x64xf32, #tpu.memory_space<vmem_shared>> -> memref<10240x64xf32, #tpu.memory_space<vmem_shared>>
        tpu.wait_indirect_dma semaphore(%run_scoped3A_134 : memref<!tpu.dma_semaphore, #tpu.memory_space<semaphore_mem>>) src(%arg12 : memref<128x64xf32, #tpu.memory_space<vmem>>) dst(%dma_wait3A_146 : memref<10240x64xf32, #tpu.memory_space<vmem_shared>>)
        tpu.yield
      }) : () -> ()
      %add3A_126 = arith.constant 4 : i32
      %add3A_127 = arith.addi %add3A_119, %add3A_126 : i32
      %dma_start3A_128 = arith.constant 0 : i32
      %dma_start3A_129 = tpu.memref_slice %arg7[%add3A_127, %dma_start3A_128] : memref<160x128xi32, #tpu.memory_space<vmem>> -> memref<1x128xi32, #tpu.memory_space<vmem>>
      %dma_start3A_130 = tpu.memref_squeeze %dma_start3A_129 : memref<1x128xi32, #tpu.memory_space<vmem>> -> memref<128xi32, #tpu.memory_space<vmem>>
      %dma_start3A_131 = arith.constant 0 : i32
      %dma_start3A_132 = arith.constant 0 : i32
      %dma_start3A_133 = tpu.memref_slice %arg2[%dma_start3A_131, %dma_start3A_132] : memref<20480x64xf32, #tpu.memory_space<hbm>> -> memref<20480x64xf32, #tpu.memory_space<hbm>>
      tpu.enqueue_indirect_dma source(%dma_start3A_133 : memref<20480x64xf32, #tpu.memory_space<hbm>>) target(%arg12 : memref<128x64xf32, #tpu.memory_space<vmem>>) offsets(%dma_start3A_130 : memref<128xi32, #tpu.memory_space<vmem>>) semaphore(%arg17 : memref<!tpu.dma_semaphore, #tpu.memory_space<semaphore_mem>>)
    }
    %scan3A_36 = arith.constant 39 : i32
    %dma_wait3A = arith.constant 0 : i32
    %dma_wait3A_37 = arith.constant 0 : i32
    %dma_wait3A_38 = tpu.memref_slice %arg2[%dma_wait3A, %dma_wait3A_37] : memref<20480x64xf32, #tpu.memory_space<hbm>> -> memref<128x64xf32, #tpu.memory_space<hbm>>
    %dma_wait3A_39 = arith.constant 0 : i32
    %dma_wait3A_40 = arith.constant 0 : i32
    %dma_wait3A_41 = tpu.memref_slice %arg2[%dma_wait3A_39, %dma_wait3A_40] : memref<20480x64xf32, #tpu.memory_space<hbm>> -> memref<128x64xf32, #tpu.memory_space<hbm>>
    tpu.wait_dma2 semaphore(%arg14 : memref<!tpu.dma_semaphore, #tpu.memory_space<semaphore_mem>>) src(%dma_wait3A_41 : memref<128x64xf32, #tpu.memory_space<hbm>>) dst(%arg9 : memref<128x64xf32, #tpu.memory_space<vmem>>)
    %run_scoped3A = arith.constant 156 : i32
    "tpu.region"() ({
      %run_scoped3A_68 = tpu.sem_alloc : memref<!tpu.dma_semaphore, #tpu.memory_space<semaphore_mem>>
      %dma_start3A_69 = arith.constant 0 : i32
      %dma_start3A_70 = tpu.memref_slice %arg8[%run_scoped3A, %dma_start3A_69] : memref<160x128xi32, #tpu.memory_space<vmem>> -> memref<1x128xi32, #tpu.memory_space<vmem>>
      %dma_start3A_71 = tpu.memref_squeeze %dma_start3A_70 : memref<1x128xi32, #tpu.memory_space<vmem>> -> memref<128xi32, #tpu.memory_space<vmem>>
      %dma_start3A_72 = arith.constant 0 : i32
      %dma_start3A_73 = arith.constant 0 : i32
      %dma_start3A_74 = tpu.memref_slice %arg13[%dma_start3A_72, %dma_start3A_73] : memref<10240x64xf32, #tpu.memory_space<vmem_shared>> -> memref<10240x64xf32, #tpu.memory_space<vmem_shared>>
      tpu.enqueue_indirect_dma source(%arg9 : memref<128x64xf32, #tpu.memory_space<vmem>>) target(%dma_start3A_74 : memref<10240x64xf32, #tpu.memory_space<vmem_shared>>) offsets(%dma_start3A_71 : memref<128xi32, #tpu.memory_space<vmem>>) semaphore(%run_scoped3A_68 : memref<!tpu.dma_semaphore, #tpu.memory_space<semaphore_mem>>) {add = true}
      %dma_wait3A_75 = arith.constant 0 : i32
      %dma_wait3A_76 = tpu.memref_slice %arg8[%run_scoped3A, %dma_wait3A_75] : memref<160x128xi32, #tpu.memory_space<vmem>> -> memref<1x128xi32, #tpu.memory_space<vmem>>
      %dma_wait3A_77 = tpu.memref_squeeze %dma_wait3A_76 : memref<1x128xi32, #tpu.memory_space<vmem>> -> memref<128xi32, #tpu.memory_space<vmem>>
      %dma_wait3A_78 = arith.constant 0 : i32
      %dma_wait3A_79 = arith.constant 0 : i32
      %dma_wait3A_80 = tpu.memref_slice %arg13[%dma_wait3A_78, %dma_wait3A_79] : memref<10240x64xf32, #tpu.memory_space<vmem_shared>> -> memref<10240x64xf32, #tpu.memory_space<vmem_shared>>
      tpu.wait_indirect_dma semaphore(%run_scoped3A_68 : memref<!tpu.dma_semaphore, #tpu.memory_space<semaphore_mem>>) src(%arg9 : memref<128x64xf32, #tpu.memory_space<vmem>>) dst(%dma_wait3A_80 : memref<10240x64xf32, #tpu.memory_space<vmem_shared>>)
      tpu.yield
    }) : () -> ()
    %dma_wait3A_42 = arith.constant 0 : i32
    %dma_wait3A_43 = arith.constant 0 : i32
    %dma_wait3A_44 = tpu.memref_slice %arg2[%dma_wait3A_42, %dma_wait3A_43] : memref<20480x64xf32, #tpu.memory_space<hbm>> -> memref<128x64xf32, #tpu.memory_space<hbm>>
    %dma_wait3A_45 = arith.constant 0 : i32
    %dma_wait3A_46 = arith.constant 0 : i32
    %dma_wait3A_47 = tpu.memref_slice %arg2[%dma_wait3A_45, %dma_wait3A_46] : memref<20480x64xf32, #tpu.memory_space<hbm>> -> memref<128x64xf32, #tpu.memory_space<hbm>>
    tpu.wait_dma2 semaphore(%arg15 : memref<!tpu.dma_semaphore, #tpu.memory_space<semaphore_mem>>) src(%dma_wait3A_47 : memref<128x64xf32, #tpu.memory_space<hbm>>) dst(%arg10 : memref<128x64xf32, #tpu.memory_space<vmem>>)
    %run_scoped3A_48 = arith.constant 157 : i32
    "tpu.region"() ({
      %run_scoped3A_68 = tpu.sem_alloc : memref<!tpu.dma_semaphore, #tpu.memory_space<semaphore_mem>>
      %dma_start3A_69 = arith.constant 0 : i32
      %dma_start3A_70 = tpu.memref_slice %arg8[%run_scoped3A_48, %dma_start3A_69] : memref<160x128xi32, #tpu.memory_space<vmem>> -> memref<1x128xi32, #tpu.memory_space<vmem>>
      %dma_start3A_71 = tpu.memref_squeeze %dma_start3A_70 : memref<1x128xi32, #tpu.memory_space<vmem>> -> memref<128xi32, #tpu.memory_space<vmem>>
      %dma_start3A_72 = arith.constant 0 : i32
      %dma_start3A_73 = arith.constant 0 : i32
      %dma_start3A_74 = tpu.memref_slice %arg13[%dma_start3A_72, %dma_start3A_73] : memref<10240x64xf32, #tpu.memory_space<vmem_shared>> -> memref<10240x64xf32, #tpu.memory_space<vmem_shared>>
      tpu.enqueue_indirect_dma source(%arg10 : memref<128x64xf32, #tpu.memory_space<vmem>>) target(%dma_start3A_74 : memref<10240x64xf32, #tpu.memory_space<vmem_shared>>) offsets(%dma_start3A_71 : memref<128xi32, #tpu.memory_space<vmem>>) semaphore(%run_scoped3A_68 : memref<!tpu.dma_semaphore, #tpu.memory_space<semaphore_mem>>) {add = true}
      %dma_wait3A_75 = arith.constant 0 : i32
      %dma_wait3A_76 = tpu.memref_slice %arg8[%run_scoped3A_48, %dma_wait3A_75] : memref<160x128xi32, #tpu.memory_space<vmem>> -> memref<1x128xi32, #tpu.memory_space<vmem>>
      %dma_wait3A_77 = tpu.memref_squeeze %dma_wait3A_76 : memref<1x128xi32, #tpu.memory_space<vmem>> -> memref<128xi32, #tpu.memory_space<vmem>>
      %dma_wait3A_78 = arith.constant 0 : i32
      %dma_wait3A_79 = arith.constant 0 : i32
      %dma_wait3A_80 = tpu.memref_slice %arg13[%dma_wait3A_78, %dma_wait3A_79] : memref<10240x64xf32, #tpu.memory_space<vmem_shared>> -> memref<10240x64xf32, #tpu.memory_space<vmem_shared>>
      tpu.wait_indirect_dma semaphore(%run_scoped3A_68 : memref<!tpu.dma_semaphore, #tpu.memory_space<semaphore_mem>>) src(%arg10 : memref<128x64xf32, #tpu.memory_space<vmem>>) dst(%dma_wait3A_80 : memref<10240x64xf32, #tpu.memory_space<vmem_shared>>)
      tpu.yield
    }) : () -> ()
    %dma_wait3A_49 = arith.constant 0 : i32
    %dma_wait3A_50 = arith.constant 0 : i32
    %dma_wait3A_51 = tpu.memref_slice %arg2[%dma_wait3A_49, %dma_wait3A_50] : memref<20480x64xf32, #tpu.memory_space<hbm>> -> memref<128x64xf32, #tpu.memory_space<hbm>>
    %dma_wait3A_52 = arith.constant 0 : i32
    %dma_wait3A_53 = arith.constant 0 : i32
    %dma_wait3A_54 = tpu.memref_slice %arg2[%dma_wait3A_52, %dma_wait3A_53] : memref<20480x64xf32, #tpu.memory_space<hbm>> -> memref<128x64xf32, #tpu.memory_space<hbm>>
    tpu.wait_dma2 semaphore(%arg16 : memref<!tpu.dma_semaphore, #tpu.memory_space<semaphore_mem>>) src(%dma_wait3A_54 : memref<128x64xf32, #tpu.memory_space<hbm>>) dst(%arg11 : memref<128x64xf32, #tpu.memory_space<vmem>>)
    %run_scoped3A_55 = arith.constant 158 : i32
    "tpu.region"() ({
      %run_scoped3A_68 = tpu.sem_alloc : memref<!tpu.dma_semaphore, #tpu.memory_space<semaphore_mem>>
      %dma_start3A_69 = arith.constant 0 : i32
      %dma_start3A_70 = tpu.memref_slice %arg8[%run_scoped3A_55, %dma_start3A_69] : memref<160x128xi32, #tpu.memory_space<vmem>> -> memref<1x128xi32, #tpu.memory_space<vmem>>
      %dma_start3A_71 = tpu.memref_squeeze %dma_start3A_70 : memref<1x128xi32, #tpu.memory_space<vmem>> -> memref<128xi32, #tpu.memory_space<vmem>>
      %dma_start3A_72 = arith.constant 0 : i32
      %dma_start3A_73 = arith.constant 0 : i32
      %dma_start3A_74 = tpu.memref_slice %arg13[%dma_start3A_72, %dma_start3A_73] : memref<10240x64xf32, #tpu.memory_space<vmem_shared>> -> memref<10240x64xf32, #tpu.memory_space<vmem_shared>>
      tpu.enqueue_indirect_dma source(%arg11 : memref<128x64xf32, #tpu.memory_space<vmem>>) target(%dma_start3A_74 : memref<10240x64xf32, #tpu.memory_space<vmem_shared>>) offsets(%dma_start3A_71 : memref<128xi32, #tpu.memory_space<vmem>>) semaphore(%run_scoped3A_68 : memref<!tpu.dma_semaphore, #tpu.memory_space<semaphore_mem>>) {add = true}
      %dma_wait3A_75 = arith.constant 0 : i32
      %dma_wait3A_76 = tpu.memref_slice %arg8[%run_scoped3A_55, %dma_wait3A_75] : memref<160x128xi32, #tpu.memory_space<vmem>> -> memref<1x128xi32, #tpu.memory_space<vmem>>
      %dma_wait3A_77 = tpu.memref_squeeze %dma_wait3A_76 : memref<1x128xi32, #tpu.memory_space<vmem>> -> memref<128xi32, #tpu.memory_space<vmem>>
      %dma_wait3A_78 = arith.constant 0 : i32
      %dma_wait3A_79 = arith.constant 0 : i32
      %dma_wait3A_80 = tpu.memref_slice %arg13[%dma_wait3A_78, %dma_wait3A_79] : memref<10240x64xf32, #tpu.memory_space<vmem_shared>> -> memref<10240x64xf32, #tpu.memory_space<vmem_shared>>
      tpu.wait_indirect_dma semaphore(%run_scoped3A_68 : memref<!tpu.dma_semaphore, #tpu.memory_space<semaphore_mem>>) src(%arg11 : memref<128x64xf32, #tpu.memory_space<vmem>>) dst(%dma_wait3A_80 : memref<10240x64xf32, #tpu.memory_space<vmem_shared>>)
      tpu.yield
    }) : () -> ()
    %dma_wait3A_56 = arith.constant 0 : i32
    %dma_wait3A_57 = arith.constant 0 : i32
    %dma_wait3A_58 = tpu.memref_slice %arg2[%dma_wait3A_56, %dma_wait3A_57] : memref<20480x64xf32, #tpu.memory_space<hbm>> -> memref<128x64xf32, #tpu.memory_space<hbm>>
    %dma_wait3A_59 = arith.constant 0 : i32
    %dma_wait3A_60 = arith.constant 0 : i32
    %dma_wait3A_61 = tpu.memref_slice %arg2[%dma_wait3A_59, %dma_wait3A_60] : memref<20480x64xf32, #tpu.memory_space<hbm>> -> memref<128x64xf32, #tpu.memory_space<hbm>>
    tpu.wait_dma2 semaphore(%arg17 : memref<!tpu.dma_semaphore, #tpu.memory_space<semaphore_mem>>) src(%dma_wait3A_61 : memref<128x64xf32, #tpu.memory_space<hbm>>) dst(%arg12 : memref<128x64xf32, #tpu.memory_space<vmem>>)
    %run_scoped3A_62 = arith.constant 159 : i32
    "tpu.region"() ({
      %run_scoped3A_68 = tpu.sem_alloc : memref<!tpu.dma_semaphore, #tpu.memory_space<semaphore_mem>>
      %dma_start3A_69 = arith.constant 0 : i32
      %dma_start3A_70 = tpu.memref_slice %arg8[%run_scoped3A_62, %dma_start3A_69] : memref<160x128xi32, #tpu.memory_space<vmem>> -> memref<1x128xi32, #tpu.memory_space<vmem>>
      %dma_start3A_71 = tpu.memref_squeeze %dma_start3A_70 : memref<1x128xi32, #tpu.memory_space<vmem>> -> memref<128xi32, #tpu.memory_space<vmem>>
      %dma_start3A_72 = arith.constant 0 : i32
      %dma_start3A_73 = arith.constant 0 : i32
      %dma_start3A_74 = tpu.memref_slice %arg13[%dma_start3A_72, %dma_start3A_73] : memref<10240x64xf32, #tpu.memory_space<vmem_shared>> -> memref<10240x64xf32, #tpu.memory_space<vmem_shared>>
      tpu.enqueue_indirect_dma source(%arg12 : memref<128x64xf32, #tpu.memory_space<vmem>>) target(%dma_start3A_74 : memref<10240x64xf32, #tpu.memory_space<vmem_shared>>) offsets(%dma_start3A_71 : memref<128xi32, #tpu.memory_space<vmem>>) semaphore(%run_scoped3A_68 : memref<!tpu.dma_semaphore, #tpu.memory_space<semaphore_mem>>) {add = true}
      %dma_wait3A_75 = arith.constant 0 : i32
      %dma_wait3A_76 = tpu.memref_slice %arg8[%run_scoped3A_62, %dma_wait3A_75] : memref<160x128xi32, #tpu.memory_space<vmem>> -> memref<1x128xi32, #tpu.memory_space<vmem>>
      %dma_wait3A_77 = tpu.memref_squeeze %dma_wait3A_76 : memref<1x128xi32, #tpu.memory_space<vmem>> -> memref<128xi32, #tpu.memory_space<vmem>>
      %dma_wait3A_78 = arith.constant 0 : i32
      %dma_wait3A_79 = arith.constant 0 : i32
      %dma_wait3A_80 = tpu.memref_slice %arg13[%dma_wait3A_78, %dma_wait3A_79] : memref<10240x64xf32, #tpu.memory_space<vmem_shared>> -> memref<10240x64xf32, #tpu.memory_space<vmem_shared>>
      tpu.wait_indirect_dma semaphore(%run_scoped3A_68 : memref<!tpu.dma_semaphore, #tpu.memory_space<semaphore_mem>>) src(%arg12 : memref<128x64xf32, #tpu.memory_space<vmem>>) dst(%dma_wait3A_80 : memref<10240x64xf32, #tpu.memory_space<vmem_shared>>)
      tpu.yield
    }) : () -> ()
    %barrier3A_63 = arith.constant 0 : index
    tpu.barrier barrier_id(%barrier3A_63)
    %mul3A_64 = arith.constant 640 : i32
    %mul3A_65 = arith.muli %arg1, %mul3A_64 : i32
    %mul3A_66 = arith.constant 640 : i32
    %mul3A_67 = arith.muli %arg1, %mul3A_66 : i32
    "tpu.region"() ({
      %run_scoped3A_68 = tpu.sem_alloc : memref<!tpu.dma_semaphore, #tpu.memory_space<semaphore_mem>>
      %dma_start3A_69 = arith.constant 0 : i32
      %dma_start3A_70 = tpu.memref_slice %arg6[%arg0, %mul3A_67, %dma_start3A_69] : memref<2x10240x64xf32, #tpu.memory_space<hbm>> -> memref<1x640x64xf32, #tpu.memory_space<hbm>>
      %dma_start3A_71 = tpu.memref_squeeze %dma_start3A_70 : memref<1x640x64xf32, #tpu.memory_space<hbm>> -> memref<640x64xf32, #tpu.memory_space<hbm>>
      %dma_start3A_72 = arith.constant 0 : i32
      %dma_start3A_73 = tpu.memref_slice %arg13[%mul3A_65, %dma_start3A_72] : memref<10240x64xf32, #tpu.memory_space<vmem_shared>> -> memref<640x64xf32, #tpu.memory_space<vmem_shared>>
      tpu.enqueue_dma source(%dma_start3A_73 : memref<640x64xf32, #tpu.memory_space<vmem_shared>>) target(%dma_start3A_71 : memref<640x64xf32, #tpu.memory_space<hbm>>) target_semaphore(%run_scoped3A_68 : memref<!tpu.dma_semaphore, #tpu.memory_space<semaphore_mem>>)
      %dma_wait3A_74 = arith.constant 0 : i32
      %dma_wait3A_75 = tpu.memref_slice %arg6[%arg0, %mul3A_67, %dma_wait3A_74] : memref<2x10240x64xf32, #tpu.memory_space<hbm>> -> memref<1x640x64xf32, #tpu.memory_space<hbm>>
      %dma_wait3A_76 = tpu.memref_squeeze %dma_wait3A_75 : memref<1x640x64xf32, #tpu.memory_space<hbm>> -> memref<640x64xf32, #tpu.memory_space<hbm>>
      %dma_wait3A_77 = arith.constant 0 : i32
      %dma_wait3A_78 = tpu.memref_slice %arg13[%mul3A_65, %dma_wait3A_77] : memref<10240x64xf32, #tpu.memory_space<vmem_shared>> -> memref<640x64xf32, #tpu.memory_space<vmem_shared>>
      tpu.wait_dma2 semaphore(%run_scoped3A_68 : memref<!tpu.dma_semaphore, #tpu.memory_space<semaphore_mem>>) src(%dma_wait3A_78 : memref<640x64xf32, #tpu.memory_space<vmem_shared>>) dst(%dma_wait3A_76 : memref<640x64xf32, #tpu.memory_space<hbm>>)
      tpu.yield
    }) : () -> ()
    return
  }
}

module attributes {stable_mosaic.version = 14 : i64} {
  func.func @_y1_body(%arg0: i32, %arg1: memref<1024x128xf32, #tpu.memory_space<vmem>>, %arg2: memref<128x128xf32, #tpu.memory_space<vmem>>, %arg3: memref<2x1024x8xf32, #tpu.memory_space<vmem>>, %arg4: memref<2x1024x64xf32, #tpu.memory_space<vmem>>) attributes {dimension_semantics = [#tpu.dimension_semantics<arbitrary>], iteration_bounds = array<i64: 10>, scalar_prefetch = 0 : i64, scratch_operands = 0 : i64, tpu.core_type = #tpu.core_type<tc>, window_params = [{transform_indices = @transform_0, window_bounds = array<i64: 1024, 128>}, {pipeline_mode = #tpu.pipeline_mode<synchronous>, transform_indices = @transform_1, window_bounds = array<i64: 128, 128>}, {transform_indices = @transform_2, window_bounds = array<i64: 2, 1024, 8>}, {transform_indices = @transform_3, window_bounds = array<i64: 2, 1024, 64>}]} {
    %get3A = arith.constant 0 : index
    %get3A_0 = arith.constant 0 : index
    %get3A_1 = arith.constant 0 : index
    %get3A_2 = vector.load %arg3[%get3A, %get3A_0, %get3A_1] : memref<2x1024x8xf32, #tpu.memory_space<vmem>>, vector<2x1024x8xf32>
    %slice3A = vector.extract_strided_slice %get3A_2 {offsets = [0, 0, 0], sizes = [1, 1024, 1], strides = [1, 1, 1]} : vector<2x1024x8xf32> to vector<1x1024x1xf32>
    %squeeze3A = vector.shape_cast %slice3A : vector<1x1024x1xf32> to vector<1024x1xf32>
    %slice3A_3 = vector.extract_strided_slice %get3A_2 {offsets = [1, 0, 0], sizes = [1, 1024, 1], strides = [1, 1, 1]} : vector<2x1024x8xf32> to vector<1x1024x1xf32>
    %squeeze3A_4 = vector.shape_cast %slice3A_3 : vector<1x1024x1xf32> to vector<1024x1xf32>
    %add3A = arith.addf %squeeze3A, %squeeze3A_4 : vector<1024x1xf32>
    %add3A_5 = arith.constant 1.000000e+00 : f32
    %add3A_6 = vector.broadcast %add3A_5 : f32 to vector<1024x1xf32>
    %add3A_7 = arith.addf %add3A, %add3A_6 : vector<1024x1xf32>
    %rsqrt3A = math.rsqrt %add3A_7 : vector<1024x1xf32>
    %get3A_8 = arith.constant 0 : index
    %get3A_9 = arith.constant 0 : index
    %get3A_10 = vector.load %arg1[%get3A_8, %get3A_9] : memref<1024x128xf32, #tpu.memory_space<vmem>>, vector<1024x128xf32>
    %get3A_11 = arith.constant 0 : index
    %get3A_12 = arith.constant 0 : index
    %get3A_13 = vector.load %arg2[%get3A_11, %get3A_12] : memref<128x128xf32, #tpu.memory_space<vmem>>, vector<128x128xf32>
    %dot_general3A = arith.constant dense<0.000000e+00> : vector<1024x128xf32>
    %dot_general3A_14 = tpu.matmul %get3A_10, %get3A_13, %dot_general3A {dimension_numbers = #tpu.dot_dimension_numbers<[1], [0], [0], [1], [0, 0, 1, 1], [], []>, transpose_lhs_hint = false} : vector<1024x128xf32>, vector<128x128xf32>, vector<1024x128xf32> -> vector<1024x128xf32>
    %mul3A = vector.broadcast %rsqrt3A : vector<1024x1xf32> to vector<1024x128xf32>
    %mul3A_15 = arith.mulf %dot_general3A_14, %mul3A : vector<1024x128xf32>
    %slice3A_16 = vector.extract_strided_slice %mul3A_15 {offsets = [0, 0], sizes = [1024, 64], strides = [1, 1]} : vector<1024x128xf32> to vector<1024x64xf32>
    %swap3A = arith.constant 0 : index
    %swap3A_17 = arith.constant 0 : index
    %swap3A_18 = arith.constant 0 : index
    %swap3A_19 = vector.load %arg4[%swap3A, %swap3A_17, %swap3A_18] : memref<2x1024x64xf32, #tpu.memory_space<vmem>>, vector<1x1024x64xf32>
    %swap3A_20 = vector.shape_cast %swap3A_19 : vector<1x1024x64xf32> to vector<1024x64xf32>
    %swap3A_21 = vector.shape_cast %slice3A_16 : vector<1024x64xf32> to vector<1x1024x64xf32>
    tpu.vector_store %arg4[%swap3A, %swap3A_17, %swap3A_18], %swap3A_21 {strides = array<i32>} : memref<2x1024x64xf32, #tpu.memory_space<vmem>>, vector<1x1024x64xf32>,
    %slice3A_22 = vector.extract_strided_slice %mul3A_15 {offsets = [0, 64], sizes = [1024, 64], strides = [1, 1]} : vector<1024x128xf32> to vector<1024x64xf32>
    %swap3A_23 = arith.constant 1 : index
    %swap3A_24 = arith.constant 0 : index
    %swap3A_25 = arith.constant 0 : index
    %swap3A_26 = vector.load %arg4[%swap3A_23, %swap3A_24, %swap3A_25] : memref<2x1024x64xf32, #tpu.memory_space<vmem>>, vector<1x1024x64xf32>
    %swap3A_27 = vector.shape_cast %swap3A_26 : vector<1x1024x64xf32> to vector<1024x64xf32>
    %swap3A_28 = vector.shape_cast %slice3A_22 : vector<1024x64xf32> to vector<1x1024x64xf32>
    tpu.vector_store %arg4[%swap3A_23, %swap3A_24, %swap3A_25], %swap3A_28 {strides = array<i32>} : memref<2x1024x64xf32, #tpu.memory_space<vmem>>, vector<1x1024x64xf32>,
    return
  }
  func.func @transform_0(%arg0: i32) -> (i32, i32) {
    %c0_i32 = arith.constant 0 : i32
    %c0_i32_0 = arith.constant 0 : i32
    return %arg0, %c0_i32 : i32, i32
  }
  func.func @transform_1(%arg0: i32) -> (i32, i32) {
    %c0_i32 = arith.constant 0 : i32
    %c0_i32_0 = arith.constant 0 : i32
    %c0_i32_1 = arith.constant 0 : i32
    return %c0_i32, %c0_i32_0 : i32, i32
  }
  func.func @transform_2(%arg0: i32) -> (i32, i32, i32) {
    %c0_i32 = arith.constant 0 : i32
    %c0_i32_0 = arith.constant 0 : i32
    %c0_i32_1 = arith.constant 0 : i32
    return %c0_i32, %arg0, %c0_i32_0 : i32, i32, i32
  }
  func.func @transform_3(%arg0: i32) -> (i32, i32, i32) {
    %c0_i32 = arith.constant 0 : i32
    %c0_i32_0 = arith.constant 0 : i32
    %c0_i32_1 = arith.constant 0 : i32
    return %c0_i32, %arg0, %c0_i32_0 : i32, i32, i32
  }
}

module attributes {stable_mosaic.version = 14 : i64} {
  func.func @_mid_body(%arg0: i32, %arg1: memref<2x1024x64xf32, #tpu.memory_space<vmem>>, %arg2: memref<2x1024x64xf32, #tpu.memory_space<vmem>>, %arg3: memref<2x1024x8xf32, #tpu.memory_space<vmem>>, %arg4: memref<1x128xf32, #tpu.memory_space<vmem>>, %arg5: memref<128x128xf32, #tpu.memory_space<vmem>>, %arg6: memref<2x1024x64xf32, #tpu.memory_space<vmem>>) attributes {dimension_semantics = [#tpu.dimension_semantics<arbitrary>], iteration_bounds = array<i64: 10>, scalar_prefetch = 0 : i64, scratch_operands = 0 : i64, tpu.core_type = #tpu.core_type<tc>, window_params = [{transform_indices = @transform_0, window_bounds = array<i64: 2, 1024, 64>}, {transform_indices = @transform_1, window_bounds = array<i64: 2, 1024, 64>}, {transform_indices = @transform_2, window_bounds = array<i64: 2, 1024, 8>}, {pipeline_mode = #tpu.pipeline_mode<synchronous>, transform_indices = @transform_3, window_bounds = array<i64: 1, 128>}, {pipeline_mode = #tpu.pipeline_mode<synchronous>, transform_indices = @transform_4, window_bounds = array<i64: 128, 128>}, {transform_indices = @transform_5, window_bounds = array<i64: 2, 1024, 64>}]} {
    %get3A = arith.constant 0 : index
    %get3A_0 = arith.constant 0 : index
    %get3A_1 = arith.constant 0 : index
    %get3A_2 = vector.load %arg3[%get3A, %get3A_0, %get3A_1] : memref<2x1024x8xf32, #tpu.memory_space<vmem>>, vector<2x1024x8xf32>
    %slice3A = vector.extract_strided_slice %get3A_2 {offsets = [0, 0, 0], sizes = [1, 1024, 1], strides = [1, 1, 1]} : vector<2x1024x8xf32> to vector<1x1024x1xf32>
    %squeeze3A = vector.shape_cast %slice3A : vector<1x1024x1xf32> to vector<1024x1xf32>
    %slice3A_3 = vector.extract_strided_slice %get3A_2 {offsets = [1, 0, 0], sizes = [1, 1024, 1], strides = [1, 1, 1]} : vector<2x1024x8xf32> to vector<1x1024x1xf32>
    %squeeze3A_4 = vector.shape_cast %slice3A_3 : vector<1x1024x1xf32> to vector<1024x1xf32>
    %add3A = arith.addf %squeeze3A, %squeeze3A_4 : vector<1024x1xf32>
    %add3A_5 = arith.constant 1.000000e+00 : f32
    %add3A_6 = vector.broadcast %add3A_5 : f32 to vector<1024x1xf32>
    %add3A_7 = arith.addf %add3A, %add3A_6 : vector<1024x1xf32>
    %rsqrt3A = math.rsqrt %add3A_7 : vector<1024x1xf32>
    %get3A_8 = arith.constant 0 : index
    %get3A_9 = arith.constant 0 : index
    %get3A_10 = arith.constant 0 : index
    %get3A_11 = vector.load %arg1[%get3A_8, %get3A_9, %get3A_10] : memref<2x1024x64xf32, #tpu.memory_space<vmem>>, vector<1x1024x64xf32>
    %get3A_12 = vector.shape_cast %get3A_11 : vector<1x1024x64xf32> to vector<1024x64xf32>
    %get3A_13 = arith.constant 0 : index
    %get3A_14 = arith.constant 0 : index
    %get3A_15 = arith.constant 0 : index
    %get3A_16 = vector.load %arg2[%get3A_13, %get3A_14, %get3A_15] : memref<2x1024x64xf32, #tpu.memory_space<vmem>>, vector<1x1024x64xf32>
    %get3A_17 = vector.shape_cast %get3A_16 : vector<1x1024x64xf32> to vector<1024x64xf32>
    %add3A_18 = arith.addf %get3A_12, %get3A_17 : vector<1024x64xf32>
    %get3A_19 = arith.constant 1 : index
    %get3A_20 = arith.constant 0 : index
    %get3A_21 = arith.constant 0 : index
    %get3A_22 = vector.load %arg1[%get3A_19, %get3A_20, %get3A_21] : memref<2x1024x64xf32, #tpu.memory_space<vmem>>, vector<1x1024x64xf32>
    %get3A_23 = vector.shape_cast %get3A_22 : vector<1x1024x64xf32> to vector<1024x64xf32>
    %get3A_24 = arith.constant 1 : index
    %get3A_25 = arith.constant 0 : index
    %get3A_26 = arith.constant 0 : index
    %get3A_27 = vector.load %arg2[%get3A_24, %get3A_25, %get3A_26] : memref<2x1024x64xf32, #tpu.memory_space<vmem>>, vector<1x1024x64xf32>
    %get3A_28 = vector.shape_cast %get3A_27 : vector<1x1024x64xf32> to vector<1024x64xf32>
    %add3A_29 = arith.addf %get3A_23, %get3A_28 : vector<1024x64xf32>
    %concatenate3A = tpu.concatenate %add3A_18, %add3A_29 in 1 : vector<1024x64xf32>, vector<1024x64xf32> -> vector<1024x128xf32>
    %mul3A = vector.broadcast %rsqrt3A : vector<1024x1xf32> to vector<1024x128xf32>
    %mul3A_30 = arith.mulf %concatenate3A, %mul3A : vector<1024x128xf32>
    %get3A_31 = arith.constant 0 : index
    %get3A_32 = arith.constant 0 : index
    %get3A_33 = vector.load %arg4[%get3A_31, %get3A_32] : memref<1x128xf32, #tpu.memory_space<vmem>>, vector<1x128xf32>
    %add3A_34 = vector.broadcast %get3A_33 : vector<1x128xf32> to vector<1024x128xf32>
    %add3A_35 = arith.addf %mul3A_30, %add3A_34 : vector<1024x128xf32>
    %max3A = arith.constant 0.000000e+00 : f32
    %max3A_36 = vector.broadcast %max3A : f32 to vector<1024x128xf32>
    %max3A_37 = arith.maximumf %add3A_35, %max3A_36 : vector<1024x128xf32>
    %get3A_38 = arith.constant 0 : index
    %get3A_39 = arith.constant 0 : index
    %get3A_40 = vector.load %arg5[%get3A_38, %get3A_39] : memref<128x128xf32, #tpu.memory_space<vmem>>, vector<128x128xf32>
    %dot_general3A = arith.constant dense<0.000000e+00> : vector<1024x128xf32>
    %dot_general3A_41 = tpu.matmul %max3A_37, %get3A_40, %dot_general3A {dimension_numbers = #tpu.dot_dimension_numbers<[1], [0], [0], [1], [0, 0, 1, 1], [], []>, transpose_lhs_hint = false} : vector<1024x128xf32>, vector<128x128xf32>, vector<1024x128xf32> -> vector<1024x128xf32>
    %mul3A_42 = vector.broadcast %rsqrt3A : vector<1024x1xf32> to vector<1024x128xf32>
    %mul3A_43 = arith.mulf %dot_general3A_41, %mul3A_42 : vector<1024x128xf32>
    %slice3A_44 = vector.extract_strided_slice %mul3A_43 {offsets = [0, 0], sizes = [1024, 64], strides = [1, 1]} : vector<1024x128xf32> to vector<1024x64xf32>
    %swap3A = arith.constant 0 : index
    %swap3A_45 = arith.constant 0 : index
    %swap3A_46 = arith.constant 0 : index
    %swap3A_47 = vector.load %arg6[%swap3A, %swap3A_45, %swap3A_46] : memref<2x1024x64xf32, #tpu.memory_space<vmem>>, vector<1x1024x64xf32>
    %swap3A_48 = vector.shape_cast %swap3A_47 : vector<1x1024x64xf32> to vector<1024x64xf32>
    %swap3A_49 = vector.shape_cast %slice3A_44 : vector<1024x64xf32> to vector<1x1024x64xf32>
    tpu.vector_store %arg6[%swap3A, %swap3A_45, %swap3A_46], %swap3A_49 {strides = array<i32>} : memref<2x1024x64xf32, #tpu.memory_space<vmem>>, vector<1x1024x64xf32>,
    %slice3A_50 = vector.extract_strided_slice %mul3A_43 {offsets = [0, 64], sizes = [1024, 64], strides = [1, 1]} : vector<1024x128xf32> to vector<1024x64xf32>
    %swap3A_51 = arith.constant 1 : index
    %swap3A_52 = arith.constant 0 : index
    %swap3A_53 = arith.constant 0 : index
    %swap3A_54 = vector.load %arg6[%swap3A_51, %swap3A_52, %swap3A_53] : memref<2x1024x64xf32, #tpu.memory_space<vmem>>, vector<1x1024x64xf32>
    %swap3A_55 = vector.shape_cast %swap3A_54 : vector<1x1024x64xf32> to vector<1024x64xf32>
    %swap3A_56 = vector.shape_cast %slice3A_50 : vector<1024x64xf32> to vector<1x1024x64xf32>
    tpu.vector_store %arg6[%swap3A_51, %swap3A_52, %swap3A_53], %swap3A_56 {strides = array<i32>} : memref<2x1024x64xf32, #tpu.memory_space<vmem>>, vector<1x1024x64xf32>,
    return
  }
  func.func @transform_0(%arg0: i32) -> (i32, i32, i32) {
    %c0_i32 = arith.constant 0 : i32
    %c0_i32_0 = arith.constant 0 : i32
    %c0_i32_1 = arith.constant 0 : i32
    return %c0_i32, %arg0, %c0_i32_0 : i32, i32, i32
  }
  func.func @transform_1(%arg0: i32) -> (i32, i32, i32) {
    %c0_i32 = arith.constant 0 : i32
    %c0_i32_0 = arith.constant 0 : i32
    %c0_i32_1 = arith.constant 0 : i32
    return %c0_i32, %arg0, %c0_i32_0 : i32, i32, i32
  }
  func.func @transform_2(%arg0: i32) -> (i32, i32, i32) {
    %c0_i32 = arith.constant 0 : i32
    %c0_i32_0 = arith.constant 0 : i32
    %c0_i32_1 = arith.constant 0 : i32
    return %c0_i32, %arg0, %c0_i32_0 : i32, i32, i32
  }
  func.func @transform_3(%arg0: i32) -> (i32, i32) {
    %c0_i32 = arith.constant 0 : i32
    %c0_i32_0 = arith.constant 0 : i32
    %c0_i32_1 = arith.constant 0 : i32
    return %c0_i32, %c0_i32_0 : i32, i32
  }
  func.func @transform_4(%arg0: i32) -> (i32, i32) {
    %c0_i32 = arith.constant 0 : i32
    %c0_i32_0 = arith.constant 0 : i32
    %c0_i32_1 = arith.constant 0 : i32
    return %c0_i32, %c0_i32_0 : i32, i32
  }
  func.func @transform_5(%arg0: i32) -> (i32, i32, i32) {
    %c0_i32 = arith.constant 0 : i32
    %c0_i32_0 = arith.constant 0 : i32
    %c0_i32_1 = arith.constant 0 : i32
    return %c0_i32, %arg0, %c0_i32_0 : i32, i32, i32
  }
}

module attributes {stable_mosaic.version = 14 : i64} {
  func.func @_out_body(%arg0: i32, %arg1: memref<2x1000x64xf32, #tpu.memory_space<vmem>>, %arg2: memref<2x1000x64xf32, #tpu.memory_space<vmem>>, %arg3: memref<2x1000x8xf32, #tpu.memory_space<vmem>>, %arg4: memref<1x128xf32, #tpu.memory_space<vmem>>, %arg5: memref<1000x128xf32, #tpu.memory_space<vmem>>) attributes {dimension_semantics = [#tpu.dimension_semantics<arbitrary>], iteration_bounds = array<i64: 10>, scalar_prefetch = 0 : i64, scratch_operands = 0 : i64, tpu.core_type = #tpu.core_type<tc>, window_params = [{transform_indices = @transform_0, window_bounds = array<i64: 2, 1000, 64>}, {transform_indices = @transform_1, window_bounds = array<i64: 2, 1000, 64>}, {transform_indices = @transform_2, window_bounds = array<i64: 2, 1000, 8>}, {pipeline_mode = #tpu.pipeline_mode<synchronous>, transform_indices = @transform_3, window_bounds = array<i64: 1, 128>}, {transform_indices = @transform_4, window_bounds = array<i64: 1000, 128>}]} {
    %get3A = arith.constant 0 : index
    %get3A_0 = arith.constant 0 : index
    %get3A_1 = arith.constant 0 : index
    %get3A_2 = vector.load %arg3[%get3A, %get3A_0, %get3A_1] : memref<2x1000x8xf32, #tpu.memory_space<vmem>>, vector<2x1000x8xf32>
    %slice3A = vector.extract_strided_slice %get3A_2 {offsets = [0, 0, 0], sizes = [1, 1000, 1], strides = [1, 1, 1]} : vector<2x1000x8xf32> to vector<1x1000x1xf32>
    %squeeze3A = vector.shape_cast %slice3A : vector<1x1000x1xf32> to vector<1000x1xf32>
    %slice3A_3 = vector.extract_strided_slice %get3A_2 {offsets = [1, 0, 0], sizes = [1, 1000, 1], strides = [1, 1, 1]} : vector<2x1000x8xf32> to vector<1x1000x1xf32>
    %squeeze3A_4 = vector.shape_cast %slice3A_3 : vector<1x1000x1xf32> to vector<1000x1xf32>
    %add3A = arith.addf %squeeze3A, %squeeze3A_4 : vector<1000x1xf32>
    %add3A_5 = arith.constant 1.000000e+00 : f32
    %add3A_6 = vector.broadcast %add3A_5 : f32 to vector<1000x1xf32>
    %add3A_7 = arith.addf %add3A, %add3A_6 : vector<1000x1xf32>
    %rsqrt3A = math.rsqrt %add3A_7 : vector<1000x1xf32>
    %get3A_8 = arith.constant 0 : index
    %get3A_9 = arith.constant 0 : index
    %get3A_10 = arith.constant 0 : index
    %get3A_11 = vector.load %arg1[%get3A_8, %get3A_9, %get3A_10] : memref<2x1000x64xf32, #tpu.memory_space<vmem>>, vector<1x1000x64xf32>
    %get3A_12 = vector.shape_cast %get3A_11 : vector<1x1000x64xf32> to vector<1000x64xf32>
    %get3A_13 = arith.constant 0 : index
    %get3A_14 = arith.constant 0 : index
    %get3A_15 = arith.constant 0 : index
    %get3A_16 = vector.load %arg2[%get3A_13, %get3A_14, %get3A_15] : memref<2x1000x64xf32, #tpu.memory_space<vmem>>, vector<1x1000x64xf32>
    %get3A_17 = vector.shape_cast %get3A_16 : vector<1x1000x64xf32> to vector<1000x64xf32>
    %add3A_18 = arith.addf %get3A_12, %get3A_17 : vector<1000x64xf32>
    %get3A_19 = arith.constant 1 : index
    %get3A_20 = arith.constant 0 : index
    %get3A_21 = arith.constant 0 : index
    %get3A_22 = vector.load %arg1[%get3A_19, %get3A_20, %get3A_21] : memref<2x1000x64xf32, #tpu.memory_space<vmem>>, vector<1x1000x64xf32>
    %get3A_23 = vector.shape_cast %get3A_22 : vector<1x1000x64xf32> to vector<1000x64xf32>
    %get3A_24 = arith.constant 1 : index
    %get3A_25 = arith.constant 0 : index
    %get3A_26 = arith.constant 0 : index
    %get3A_27 = vector.load %arg2[%get3A_24, %get3A_25, %get3A_26] : memref<2x1000x64xf32, #tpu.memory_space<vmem>>, vector<1x1000x64xf32>
    %get3A_28 = vector.shape_cast %get3A_27 : vector<1x1000x64xf32> to vector<1000x64xf32>
    %add3A_29 = arith.addf %get3A_23, %get3A_28 : vector<1000x64xf32>
    %concatenate3A = tpu.concatenate %add3A_18, %add3A_29 in 1 : vector<1000x64xf32>, vector<1000x64xf32> -> vector<1000x128xf32>
    %mul3A = vector.broadcast %rsqrt3A : vector<1000x1xf32> to vector<1000x128xf32>
    %mul3A_30 = arith.mulf %concatenate3A, %mul3A : vector<1000x128xf32>
    %get3A_31 = arith.constant 0 : index
    %get3A_32 = arith.constant 0 : index
    %get3A_33 = vector.load %arg4[%get3A_31, %get3A_32] : memref<1x128xf32, #tpu.memory_space<vmem>>, vector<1x128xf32>
    %add3A_34 = vector.broadcast %get3A_33 : vector<1x128xf32> to vector<1000x128xf32>
    %add3A_35 = arith.addf %mul3A_30, %add3A_34 : vector<1000x128xf32>
    %swap3A = arith.constant 0 : index
    %swap3A_36 = arith.constant 0 : index
    %swap3A_37 = vector.load %arg5[%swap3A, %swap3A_36] : memref<1000x128xf32, #tpu.memory_space<vmem>>, vector<1000x128xf32>
    tpu.vector_store %arg5[%swap3A, %swap3A_36], %add3A_35 {strides = array<i32>} : memref<1000x128xf32, #tpu.memory_space<vmem>>, vector<1000x128xf32>,
    return
  }
  func.func @transform_0(%arg0: i32) -> (i32, i32, i32) {
    %c0_i32 = arith.constant 0 : i32
    %c0_i32_0 = arith.constant 0 : i32
    %c0_i32_1 = arith.constant 0 : i32
    return %c0_i32, %arg0, %c0_i32_0 : i32, i32, i32
  }
  func.func @transform_1(%arg0: i32) -> (i32, i32, i32) {
    %c0_i32 = arith.constant 0 : i32
    %c0_i32_0 = arith.constant 0 : i32
    %c0_i32_1 = arith.constant 0 : i32
    return %c0_i32, %arg0, %c0_i32_0 : i32, i32, i32
  }
  func.func @transform_2(%arg0: i32) -> (i32, i32, i32) {
    %c0_i32 = arith.constant 0 : i32
    %c0_i32_0 = arith.constant 0 : i32
    %c0_i32_1 = arith.constant 0 : i32
    return %c0_i32, %arg0, %c0_i32_0 : i32, i32, i32
  }
  func.func @transform_3(%arg0: i32) -> (i32, i32) {
    %c0_i32 = arith.constant 0 : i32
    %c0_i32_0 = arith.constant 0 : i32
    %c0_i32_1 = arith.constant 0 : i32
    return %c0_i32, %c0_i32_0 : i32, i32
  }
  func.func @transform_4(%arg0: i32) -> (i32, i32) {
    %c0_i32 = arith.constant 0 : i32
    %c0_i32_0 = arith.constant 0 : i32
    return %arg0, %c0_i32 : i32, i32
  }
}

</mosaic_0001>

<sc_bundles>
// kernel: kernel.11.cloned.1.call-start
scs
__scs_entry_jumppad:
0x0: {  	(pc) =	sbr.rel $0x88, $3  }
0x1: {  	(tag) =	ssettag $0x0;
	lr =	simm.s32 $0x1  }
0x2: {  	[smem:$0x3F9B] =	sst lr;
	_ =	strace $0xD0000000  }
0x3: {  	_ = 	snop  }
0x4: {  	_ = 	snop  }
0x5: {  	_ = 	snop  }
0x6: {  	_ = 	snop  }
0x7: {  	_ = 	snop  }
__scs_overlays_trampoline_lowered:
0x8: {  	[smem:$0x3FAA] =	sst s0  }
0x9: {  	[smem:$0x3FAB] =	sst s1  }
0xa: {  	[smem:$0x3FAC] =	sst s2  }
0xb: {  	[smem:$0x3FAD] =	sst s3  }
0xc: {  	[smem:$0x3FAE] =	sst s4  }
0xd: {  	[smem:$0x3FAF] =	sst s5  }
0xe: {  	[smem:$0x3FB0] =	sst s6  }
0xf: {  	[smem:$0x3FB1] =	sst s7  }
0x10: {  	[smem:$0x3FB2] =	sst s8  }
0x11: {  	[smem:$0x3FB3] =	sst s9;
	s0 =	simm.s32 @!p0 $0x0  }
0x12: {  	s1 =	sld [smem:$0x3F99];
	s0 =	simm.s32 @p0 $0x1  }
0x13: {  	[smem:$0x3FB4] =	sst s0;
	s0 =	simm.s32 @!p1 $0x0  }
0x14: {  	s2 =	sld [smem:$0x3F98];
	s0 =	simm.s32 @p1 $0x1  }
0x15: {  	[smem:$0x3FB5] =	sst s0;
	s0 =	simm.s32 @!p2 $0x0  }
0x16: {  	s3 =	sld [smem:$0x3FDB];
	s0 =	simm.s32 @p2 $0x1  }
0x17: {  	s4 =	simm.s32 $0x1BF5;
	[smem:$0x3FB7] =	sst s0  }
0x18: {  	s0 =	sld [smem:$0x3F9A];
	_ =	swait.ge [sflag:s4], $0x0  }
0x19: {  	s7 =	sld [smem:$0x3F9B]  }
0x1a: {  	s8 =	sadd.s32 $0xFFFFE003, lr  }
0x1b: {  	s9 =	sadd.s32 $0xFFFFFEF7, lr;
	s5 =	simm.s32 $0xFFFFFFFF;
	p2 =	slt.u32 s8, $0xFFFFF086  }
0x1c: {  	p1 =	slt.u32 s9, $0xF7A;
	s5 =	simm.s32 @!p2 $0x0  }
0x1d: {  	s5 =	simm.s32 @p1 $0x1;
	p0 =	seq.s32 s7, s2  }
0x1e: {  	s7 =	smul.u32 @!p0 $0xF7A, s2;
	p2 =	seq.s32 @!p0 s5, $0x0  }
0x1f: {  	s9 =	smul.u32 $0xF7A, s1;
	s8 =	simm.s32 @!p0 $0x1BF5;
	p2 =	por !p2, p0  }
0x20: {  	[sflag:s8] =	ssyncset.s32 @!p0 $0xFFFFF086;
	s6 =	sadd.s32 @!p0 s3, s7;
	s7 =	simm.s32 @!p0 $0x108  }
0x21: {  	s3 =	sadd.s32 s3, s9;
	s6 =	sadd.s32 @!p0 $0x88, s6;
	s7 =	simm.s32 @p2 $0x1082  }
0x22: {  	[simem:s7], [sflag:s8] =	dma.local @!p0 [hbm:s6], $0xF7A  }
0x23: {  	s9 =	sor.u32 $0xD0000000, s2;
	s6 =	simm.s32 $0x108;
	_ =	swait.ge @!p0 [sflag:s8], $0x0  }
0x24: {  	s3 =	sadd.s32 $0x88, s3;
	s6 =	simm.s32 @!p1 $0x1082;
	[sflag:s4] =	ssyncset.s32 $0xFFFFF086  }
0x25: {  	[simem:s6], [sflag:s4] =	dma.local [hbm:s3], $0xF7A  }
0x26: {  	[smem:$0x3F9B] =	sst s1;
	(tag) =	ssettag s2;
	_ =	strace s9  }
0x27: {  	s1 =	sld [smem:$0x3FAB]  }
0x28: {  	s2 =	sld [smem:$0x3FAC]  }
0x29: {  	s4 =	sld [smem:$0x3FAE]  }
0x2a: {  	p0 =	seq.s32 s5, $0x0;
	s5 =	sld [smem:$0x3FAF]  }
0x2b: {  	s6 =	sld [smem:$0x3FB0]  }
0x2c: {  	s7 =	sld [smem:$0x3FB1]  }
0x2d: {  	s3 =	simm.s32 $0x108;
	s8 =	sld [smem:$0x3FB2]  }
0x2e: {  	s3 =	simm.s32 @!p0 $0x1082;
	s9 =	sld [smem:$0x3FB3]  }
0x2f: {  	lr =	sadd.s32 s0, s3;
	s0 =	sld [smem:$0x3FAA]  }
0x30: {  	s3 =	sld [smem:$0x3FAD]  }
0x31: {  	[smem:$0x3FB6] =	sst s10  }
0x32: {  	s10 =	sld [smem:$0x3FB4];
	_ =	sdelay $0x3  }
0x33: {  	p0 =	seq.s32 s10, $0x1;
	s10 =	sld [smem:$0x3FB6];
	_ =	sdelay $0x3  }
0x34: {  	[smem:$0x3FB6] =	sst s10  }
0x35: {  	s10 =	sld [smem:$0x3FB5];
	_ =	sdelay $0x3  }
0x36: {  	p1 =	seq.s32 s10, $0x1;
	s10 =	sld [smem:$0x3FB6];
	_ =	sdelay $0x3  }
0x37: {  	[smem:$0x3FB6] =	sst s10  }
0x38: {  	s10 =	sld [smem:$0x3FB7]  }
0x39: {  	_ = 	snop;
	(pc) =	sbr.ind lr, $3  }
0x3a: {  	_ = 	snop  }
0x3b: {  	_ = 	snop  }
0x3c: {  	p2 =	seq.s32 s10, $0x1;
	s10 =	sld [smem:$0x3FB6]  }
0x3d: {  	_ =	shalt  }
0x3e: {  	_ =	shalt  }
0x3f: {  	_ =	shalt  }
0x40: {  	_ =	shalt  }
0x41: {  	_ =	shalt  }
0x42: {  	_ =	shalt  }
0x43: {  	_ =	shalt  }
0x44: {  	_ =	shalt  }
0x45: {  	_ =	shalt  }
0x46: {  	_ =	shalt  }
0x47: {  	_ =	shalt  }
0x48: {  	_ =	shalt  }
0x49: {  	_ =	shalt  }
0x4a: {  	_ =	shalt  }
0x4b: {  	_ =	shalt  }
0x4c: {  	_ =	shalt  }
0x4d: {  	_ =	shalt  }
0x4e: {  	_ =	shalt  }
0x4f: {  	_ =	shalt  }
0x50: {  	_ =	shalt  }
0x51: {  	_ =	shalt  }
0x52: {  	_ =	shalt  }
0x53: {  	_ =	shalt  }
0x54: {  	_ =	shalt  }
0x55: {  	_ =	shalt  }
0x56: {  	_ =	shalt  }
0x57: {  	_ =	shalt  }
0x58: {  	_ =	shalt  }
0x59: {  	_ =	shalt  }
0x5a: {  	_ =	shalt  }
0x5b: {  	_ =	shalt  }
0x5c: {  	_ =	shalt  }
0x5d: {  	_ =	shalt  }
0x5e: {  	_ =	shalt  }
0x5f: {  	_ =	shalt  }
0x60: {  	_ =	shalt  }
0x61: {  	_ =	shalt  }
0x62: {  	_ =	shalt  }
0x63: {  	_ =	shalt  }
0x64: {  	_ =	shalt  }
0x65: {  	_ =	shalt  }
0x66: {  	_ =	shalt  }
0x67: {  	_ =	shalt  }
0x68: {  	_ =	shalt  }
0x69: {  	_ =	shalt  }
0x6a: {  	_ =	shalt  }
0x6b: {  	_ =	shalt  }
0x6c: {  	_ =	shalt  }
0x6d: {  	_ =	shalt  }
0x6e: {  	_ =	shalt  }
0x6f: {  	_ =	shalt  }
0x70: {  	_ =	shalt  }
0x71: {  	_ =	shalt  }
0x72: {  	_ =	shalt  }
0x73: {  	_ =	shalt  }
0x74: {  	_ =	shalt  }
0x75: {  	_ =	shalt  }
0x76: {  	_ =	shalt  }
0x77: {  	_ =	shalt  }
0x78: {  	_ =	shalt  }
0x79: {  	_ =	shalt  }
0x7a: {  	_ =	shalt  }
0x7b: {  	_ =	shalt  }
0x7c: {  	_ =	shalt  }
0x7d: {  	_ =	shalt  }
0x7e: {  	_ =	shalt  }
0x7f: {  	_ =	shalt  }
0x80: {  	_ =	shalt  }
0x81: {  	_ =	shalt  }
0x82: {  	_ =	shalt  }
0x83: {  	_ =	shalt  }
0x84: {  	_ =	shalt  }
0x85: {  	_ =	shalt  }
0x86: {  	_ =	shalt  }
0x87: {  	_ =	shalt  }
.Lfunc_end0:
.L_simem_size_0:
called_computation.1_lowered:
.L_overlay_start_0:
0x88: {  	s2 =	sld [smem:$0x3FD9]  }
0x89: {  	s3 =	sld [smem:$0x3FFE];
	_ =	sdelay $0x1  }
0x8a: {  	s1 =	srdreg.scid  }
0x8b: {  	s0 =	sand.u32 $0x1, s1  }
0x8c: {  	s17 =	sshll.u32 s0, $0xA;
	s2 =	sadd.s32 s3, s2  }
0x8d: {  	s2 =	sadd.s32 s2, s17  }
0x8e: {  	[smem:$0x3FC2] =	sst s2  }
0x8f: {  	_ = 	snop  }
0x90: {  	s2 =	sld [smem:$0x3FD0];
	(tm) =	ssettm $0x1  }
0x91: {  	s18 =	sld [smem:$0x3FFB];
	_ =	sdelay $0x3  }
0x92: {  	_ =	strace s18  }
0x93: {  	s3 =	sld [smem:$0x3FFC];
	_ =	sdelay $0x3  }
0x94: {  	_ =	strace s3  }
0x95: {  	s3 =	sld [smem:$0x3FFD];
	_ =	sdelay $0x3  }
0x96: {  	_ =	strace s3  }
0x97: {  	_ =	strace $0x8FFFFFFF  }
0x98: {  	s19 =	sld [smem:$0x3FDB];
	_ =	sdelay $0x1  }
0x99: {  	s4 =	simm.s32 $_scs_section_size  }
0x9a: {  	s5 =	simm.s32 $_size__tile_overlayer_lowered;
	s6 =	simm.s32 $_tile_overlayer_lowered  }
0x9b: {  	s22 =	simm.s32 $0x1BFF;
	s21 =	sshll.u32 s6, $0x1;
	s3 =	sadd.s32 s4, s19  }
0x9c: {  	s7 =	simm.s32 $0x0;
	s20 =	sshll.u32 s5, $0x1;
	s5 =	sadd.s32 s21, s3  }
0x9d: {  	[timem:s7], [sflag:s22] =	dma.local [hbm:s5], s20  }
0x9e: {  	_ =	swait.ge [sflag:s22], s20  }
0x9f: {  	s4 =	ssub.s32 $0x0, s20;
	[sflag:s22] =	ssyncset.done $0x0  }
0xa0: {  	[sflag:s22] =	ssyncadd.s32 s4;
	_ =	sdelay $0x1  }
0xa1: {  	s23 =	simm.s32 $0x1B8B  }
0xa2: {  	_ =	swait.ge [sflag:s23], $0x1  }
0xa3: {  	[sflag:s23] =	ssyncset.done $0x0  }
0xa4: {  	s25 =	simm.s32 $0x1B8E;
	s24 =	sld [smem:$0x3FFE];
	[sflag:s23] =	ssyncadd.s32 $0xFFFFFFFF  }
0xa5: {  	s26 =	simm.s32 $execute0_lowered;
	[smem:$0x3FD2] =	sst s25  }
0xa6: {  	s5 =	sshll.u32 s26, $0x1;
	_ =	strace $0x80000049;
	[dreg:$0x1] =	wrdreg $0xFFFFFFFF  }
0xa7: {  	s28 =	simm.s32 $_size_execute0_lowered;
	s3 =	sadd.s32 s3, s5;
	[dreg:$0x0] =	wrdreg $0x0  }
0xa8: {  	s5 =	sshll.u32 s28, $0x1;
	[dreg:$0x2] =	wrdreg s3  }
0xa9: {  	[dreg:$0x3] =	wrdreg s5  }
0xaa: {  	[dreg:$0x4] =	wrdreg $0xC0  }
0xab: {  	_ =	task [dreg:s7], $0x5FFFF  }
0xac: {  	[dreg:$0x1] =	wrdreg $0xFFFFFFFF  }
0xad: {  	[dreg:$0x0] =	wrdreg $0x60  }
0xae: {  	[dreg:$0x2] =	wrdreg s24  }
0xaf: {  	[dreg:$0x3] =	wrdreg s2  }
0xb0: {  	[dreg:$0x4] =	wrdreg $0x120000  }
0xb1: {  	[dreg:$0x5] =	wrdreg $0x9  }
0xb2: {  	_ =	task.clear_ibuf [dreg:s7], $0x6FFFF;
	_ =	strace $0x90000049  }
0xb3: {  	s29 =	simm.s32 $0x9;
	_ =	strace $0x8000004B  }
0xb4: {  	_ =	swait.ge [sflag:s29], $0x1  }
0xb5: {  	[sflag:s29] =	ssyncadd.s32 $0xFFFFFFFF  }
0xb6: {  	_ =	strace $0x9000004B  }
0xb7: {  	_ =	sfence  }
0xb8: {  	s30 =	sld [smem:$0x0];
	_ =	sdelay $0x2  }
0xb9: {  	s31 =	sshll.u32 s1, $0xD;
	s1 =	sshrl.u32 s1, $0x2  }
0xba: {  	s3 =	sand.u32 $0x4000, s31;
	s1 =	sadd.s32 s1, s30  }
0xbb: {  	s0 =	sor.u32 s3, s0;
	s1 =	sshll.u32 s1, $0x11  }
0xbc: {  	s0 =	sor.u32 s1, s0  }
0xbd: {  	s0 =	sadd.s32 $0x8F2B, s0  }
0xbe: {  	[sflag:s0] =	ssyncadd.remote.s32 $0x1  }
0xbf: {  	_ =	sfence.sel $0xFFFF  }
0xc0: {  	[dreg:$0x0] =	wrdreg $0xFFFFFFFF;
	(pc) =	sbr.abs _section_cstart, $3  }
0xc1: {  	[dreg:$0x1] =	wrdreg $0xFFFFFFFF  }
0xc2: {  	_ =	task.clear_ibuf [dreg:s7], $0x2FFFF;
	_ =	strace $0x9FFFFFFF  }
0xc3: {  	(tm) =	ssettm $0x7FFFFFFF  }
tec
execute0_lowered:
.L_overlay_start_1:
0x0: {  	(tag) =	ssettag $0x1  }
0x1: {  	s0 =	rddreg [dreg:$0x0]  }
0x2: {  	s7 =	rddreg [dreg:$0x1]  }
0x3: {  	s2 =	rddreg [dreg:$0x2]  }
0x4: {  	s1 =	stileid.u32;
	s4 =	srdreg.scid;
	s3 =	simm.s32 $0x0  }
0x5: {  	s14 =	simm.s32 $0x80;
	s15 =	simm.s32 $0xA000;
	s16 =	simm.s32 $0xC000  }
0x6: {  	s17 =	simm.s32 $0x100;
	s18 =	simm.s32 $0xE000;
	s19 =	simm.s32 $0x180  }
0x7: {  	s20 =	simm.s32 $0x10000;
	s21 =	simm.s32 $0x1;
	s22 =	simm.s32 $0x2  }
0x8: {  	s23 =	simm.s32 $0x3;
	s24 =	simm.s32 $0x4;
	s28 =	simm.s32 $0x9F00  }
0x9: {  	s29 =	simm.s32 $0x9F80;
	s30 =	simm.s32 $0x0;
	s6 =	smul.u32 $0x5000, s1  }
0xa: {  	s5 =	sand.u32 $0x1, s4;
	s8 =	smul.u32 $0xA000, s1;
	[smem:$0x7FF] =	sst s3  }
0xb: {  	s4 =	sadd.s32 $0xB0C00, s0;
	s31 =	sshll.u32 s1, $0x6;
	s10 =	smul.u32 $0xA0000, s5  }
0xc: {  	_ =	strace $0x8000004A;
	s11 =	ssub.s32 $0x2, s5;
	s12 =	smul.u32 $0x50000, s5  }
0xd: {  	s5 =	sadd.s32 $0xB600, s0;
	s9 =	sshrl.u32 s6, $0x3;
	s13 =	sshrl.u32 s11, $0x1  }
0xe: {  	s26 =	sadd.s32 s8, s2;
	s9 =	sadd.s32 s9, s0;
	s10 =	sadd.s32 s8, s10  }
0xf: {  	s25 =	ssub.s32 s11, s13;
	s6 =	sadd.s32 s6, s12;
	s11 =	sshrl.u32 s26, $0x3  }
0x10: {  	s13 =	simm.s32 $0x5000;
	s26 =	simm.s32 $0x9E80;
	s10 =	sshrl.u32 s10, $0x3  }
0x11: {  	s12 =	sshrl.u32 s6, $0x3;
	s6 =	sor.u32 $0x1C05, s31;
	s8 =	sadd.s32 $0x1600, s9  }
0x12: {  	s0 =	sadd.s32 s10, s0;
	s7 =	sadd.s32 s7, s12;
	s10 =	smax.u32 s25, $0x1  }
0x13: {  	s12 =	simm.s32 $0x5;
	s25 =	simm.s32 $0x9E00;
	s9 =	sadd.s32 $0xD8C00, s0  }
.LBB2_1:
0x14: {  	[spmem:s11], [sflag:s6] =	dma.local [hbm:s5], $0x1400  }
0x15: {  	_ =	swait.ge [sflag:s12], $0x1400  }
0x16: {  	[sflag:s12] =	ssyncset.done $0x0  }
0x17: {  	[sflag:s12] =	ssyncadd.s32 $0xFFFFEC00  }
0x18: {  	[tilespmem:s3], [sflag:$0x5] =	stream.linear.gather [hbm4b:s7+s3], $0x5000, $0x38;
	[tilespmem:$0x1C000] =	vst v63  }
0x19: {  	_ =	swait.ge [sflag:s12], $0x5000  }
0x1a: {  	[sflag:s12] =	ssyncset.done $0x0  }
0x1b: {  	[sflag:s12] =	ssyncadd.s32 $0xFFFFB000  }
0x1c: {  	[tilespmem:s13], [sflag:$0x5] =	stream.linear.gather [hbm4b:s8+s3], $0x5000, $0x38;
	[tilespmem:$0x1C000] =	vst v63  }
0x1d: {  	_ =	swait.ge [sflag:s12], $0x5000  }
0x1e: {  	[sflag:s12] =	ssyncset.done $0x0  }
0x1f: {  	[sflag:s12] =	ssyncadd.s32 $0xFFFFB000  }
0x20: {  	[tilespmem:s15], [sflag:$0x1] =	stream.indirect.gather [hbm4b:s4+s14], $0x40, s3, s14, $0xb8;
	[tilespmem:$0x1C000] =	vst v63  }
0x21: {  	_ = 	snop  }
0x22: {  	[tilespmem:s16], [sflag:$0x2] =	stream.indirect.gather [hbm4b:s4+s14], $0x40, s14, s14, $0xb8;
	[tilespmem:$0x1C000] =	vst v63  }
0x23: {  	_ = 	snop  }
0x24: {  	[tilespmem:s18], [sflag:$0x3] =	stream.indirect.gather [hbm4b:s4+s14], $0x40, s17, s14, $0xb8;
	[tilespmem:$0x1C000] =	vst v63  }
0x25: {  	_ = 	snop  }
0x26: {  	[tilespmem:s20], [sflag:$0x4] =	stream.indirect.gather [hbm4b:s4+s14], $0x40, s19, s14, $0xb8;
	[tilespmem:$0x1C000] =	vst v63  }
0x27: {  	[bflag:$0x0] =	sbarrier.arrive $0xFFFF  }
0x28: {  	_ =	swait.ge [sflag:s21], $0x2000  }
0x29: {  	[sflag:s21] =	ssyncset.done $0x0  }
0x2a: {  	s0 =	simm.s32 $0x5000;
	[sflag:s21] =	ssyncadd.s32 $0xFFFFE000  }
0x2b: {  	[spmem:s2] =	stream.indirect.scatter.add.f32 [tilespmem:s15], [sflag:$0x5], $0x40, s0, s14, $0xb8;
	[tilespmem:$0x1C000] =	vst v63  }
0x2c: {  	_ =	swait.ge [sflag:s12], $0x2000  }
0x2d: {  	[sflag:s12] =	ssyncset.done $0x0  }
0x2e: {  	s1 =	simm.s32 $0x200;
	[sflag:s12] =	ssyncadd.s32 $0xFFFFE000  }
0x2f: {  	[tilespmem:s15], [sflag:$0x1] =	stream.indirect.gather [hbm4b:s4+s14], $0x40, s1, s14, $0xb8;
	[tilespmem:$0x1C000] =	vst v63  }
0x30: {  	_ =	swait.ge [sflag:s22], $0x2000  }
0x31: {  	[sflag:s22] =	ssyncset.done $0x0  }
0x32: {  	s1 =	simm.s32 $0x5080;
	[sflag:s22] =	ssyncadd.s32 $0xFFFFE000  }
0x33: {  	[spmem:s2] =	stream.indirect.scatter.add.f32 [tilespmem:s16], [sflag:$0x5], $0x40, s1, s14, $0xb8;
	[tilespmem:$0x1C000] =	vst v63  }
0x34: {  	_ =	swait.ge [sflag:s12], $0x2000  }
0x35: {  	[sflag:s12] =	ssyncset.done $0x0  }
0x36: {  	s1 =	simm.s32 $0x280;
	[sflag:s12] =	ssyncadd.s32 $0xFFFFE000  }
0x37: {  	[tilespmem:s16], [sflag:$0x2] =	stream.indirect.gather [hbm4b:s4+s14], $0x40, s1, s14, $0xb8;
	[tilespmem:$0x1C000] =	vst v63  }
0x38: {  	_ =	swait.ge [sflag:s23], $0x2000  }
0x39: {  	[sflag:s23] =	ssyncset.done $0x0  }
0x3a: {  	s1 =	simm.s32 $0x5100;
	[sflag:s23] =	ssyncadd.s32 $0xFFFFE000  }
0x3b: {  	[spmem:s2] =	stream.indirect.scatter.add.f32 [tilespmem:s18], [sflag:$0x5], $0x40, s1, s14, $0xb8;
	[tilespmem:$0x1C000] =	vst v63  }
0x3c: {  	_ =	swait.ge [sflag:s12], $0x2000  }
0x3d: {  	[sflag:s12] =	ssyncset.done $0x0  }
0x3e: {  	s1 =	simm.s32 $0x300;
	[sflag:s12] =	ssyncadd.s32 $0xFFFFE000  }
0x3f: {  	[tilespmem:s18], [sflag:$0x3] =	stream.indirect.gather [hbm4b:s4+s14], $0x40, s1, s14, $0xb8;
	[tilespmem:$0x1C000] =	vst v63  }
0x40: {  	_ =	swait.ge [sflag:s24], $0x2000  }
0x41: {  	[sflag:s24] =	ssyncset.done $0x0  }
0x42: {  	s1 =	simm.s32 $0x5180;
	[sflag:s24] =	ssyncadd.s32 $0xFFFFE000  }
0x43: {  	[spmem:s2] =	stream.indirect.scatter.add.f32 [tilespmem:s20], [sflag:$0x5], $0x40, s1, s14, $0xb8;
	[tilespmem:$0x1C000] =	vst v63  }
0x44: {  	_ =	swait.ge [sflag:s12], $0x2000  }
0x45: {  	[sflag:s12] =	ssyncset.done $0x0  }
0x46: {  	s31 =	simm.s32 $0x800;
	s0 =	simm.s32 $0x380;
	[sflag:s12] =	ssyncadd.s32 $0xFFFFE000  }
.LBB2_2:
0x47: {  	[tilespmem:s20], [sflag:$0x4] =	stream.indirect.gather [hbm4b:s4+s14], $0x40, s0, s14, $0xb8;
	[tilespmem:$0x1C000] =	vst v63  }
0x48: {  	s0 =	smov.u32 s31  }
0x49: {  	p0 =	sne.s32 s31, $0x13000;
	s31 =	sadd.s32 $0x800, s31;
	_ =	swait.ge [sflag:s21], $0x2000  }
0x4a: {  	s0 =	sshra.s32 s0, $0x2;
	[sflag:s21] =	ssyncset.done $0x0  }
0x4b: {  	s1 =	sadd.s32 $0x5000, s0;
	[sflag:s21] =	ssyncadd.s32 $0xFFFFE000  }
0x4c: {  	[spmem:s2] =	stream.indirect.scatter.add.f32 [tilespmem:s15], [sflag:$0x5], $0x40, s1, s14, $0xb8;
	[tilespmem:$0x1C000] =	vst v63  }
0x4d: {  	_ =	swait.ge [sflag:s12], $0x2000  }
0x4e: {  	[sflag:s12] =	ssyncset.done $0x0  }
0x4f: {  	s1 =	sadd.s32 $0x200, s0;
	[sflag:s12] =	ssyncadd.s32 $0xFFFFE000  }
0x50: {  	[tilespmem:s15], [sflag:$0x1] =	stream.indirect.gather [hbm4b:s4+s14], $0x40, s1, s14, $0xb8;
	[tilespmem:$0x1C000] =	vst v63  }
0x51: {  	_ =	swait.ge [sflag:s22], $0x2000  }
0x52: {  	[sflag:s22] =	ssyncset.done $0x0  }
0x53: {  	s1 =	sadd.s32 $0x5080, s0;
	[sflag:s22] =	ssyncadd.s32 $0xFFFFE000  }
0x54: {  	[spmem:s2] =	stream.indirect.scatter.add.f32 [tilespmem:s16], [sflag:$0x5], $0x40, s1, s14, $0xb8;
	[tilespmem:$0x1C000] =	vst v63  }
0x55: {  	_ =	swait.ge [sflag:s12], $0x2000  }
0x56: {  	[sflag:s12] =	ssyncset.done $0x0  }
0x57: {  	s1 =	sadd.s32 $0x280, s0;
	[sflag:s12] =	ssyncadd.s32 $0xFFFFE000  }
0x58: {  	[tilespmem:s16], [sflag:$0x2] =	stream.indirect.gather [hbm4b:s4+s14], $0x40, s1, s14, $0xb8;
	[tilespmem:$0x1C000] =	vst v63  }
0x59: {  	_ =	swait.ge [sflag:s23], $0x2000  }
0x5a: {  	[sflag:s23] =	ssyncset.done $0x0  }
0x5b: {  	s1 =	sadd.s32 $0x5100, s0;
	[sflag:s23] =	ssyncadd.s32 $0xFFFFE000  }
0x5c: {  	[spmem:s2] =	stream.indirect.scatter.add.f32 [tilespmem:s18], [sflag:$0x5], $0x40, s1, s14, $0xb8;
	[tilespmem:$0x1C000] =	vst v63  }
0x5d: {  	_ =	swait.ge [sflag:s12], $0x2000  }
0x5e: {  	[sflag:s12] =	ssyncset.done $0x0  }
0x5f: {  	s1 =	sadd.s32 $0x300, s0;
	[sflag:s12] =	ssyncadd.s32 $0xFFFFE000  }
0x60: {  	[tilespmem:s18], [sflag:$0x3] =	stream.indirect.gather [hbm4b:s4+s14], $0x40, s1, s14, $0xb8;
	[tilespmem:$0x1C000] =	vst v63  }
0x61: {  	_ =	swait.ge [sflag:s24], $0x2000  }
0x62: {  	[sflag:s24] =	ssyncset.done $0x0  }
.Ltmp0:
0x63: {  	s1 =	sadd.s32 $0x5180, s0;
	[sflag:s24] =	ssyncadd.s32 $0xFFFFE000;
	(pc) =	sbr.rel @p0 .LBB2_2-.Ltmp0, $4  }
0x64: {  	[spmem:s2] =	stream.indirect.scatter.add.f32 [tilespmem:s20], [sflag:$0x5], $0x40, s1, s14, $0xb8;
	[tilespmem:$0x1C000] =	vst v63  }
0x65: {  	_ =	swait.ge [sflag:s12], $0x2000  }
0x66: {  	[sflag:s12] =	ssyncset.done $0x0  }
0x67: {  	s0 =	sadd.s32 $0x380, s0;
	[sflag:s12] =	ssyncadd.s32 $0xFFFFE000  }
0x68: {  	[tilespmem:s20], [sflag:$0x4] =	stream.indirect.gather [hbm4b:s4+s14], $0x40, s0, s14, $0xb8;
	[tilespmem:$0x1C000] =	vst v63  }
0x69: {  	_ =	swait.ge [sflag:s21], $0x2000  }
0x6a: {  	[sflag:s21] =	ssyncset.done $0x0  }
0x6b: {  	[sflag:s21] =	ssyncadd.s32 $0xFFFFE000  }
0x6c: {  	[spmem:s2] =	stream.indirect.scatter.add.f32 [tilespmem:s15], [sflag:$0x5], $0x40, s25, s14, $0xb8;
	[tilespmem:$0x1C000] =	vst v63  }
0x6d: {  	_ =	swait.ge [sflag:s12], $0x2000  }
0x6e: {  	[sflag:s12] =	ssyncset.done $0x0  }
0x6f: {  	[sflag:s12] =	ssyncadd.s32 $0xFFFFE000  }
0x70: {  	_ =	swait.ge [sflag:s22], $0x2000  }
0x71: {  	[sflag:s22] =	ssyncset.done $0x0  }
0x72: {  	[sflag:s22] =	ssyncadd.s32 $0xFFFFE000  }
0x73: {  	[spmem:s2] =	stream.indirect.scatter.add.f32 [tilespmem:s16], [sflag:$0x5], $0x40, s26, s14, $0xb8;
	[tilespmem:$0x1C000] =	vst v63  }
0x74: {  	_ =	swait.ge [sflag:s12], $0x2000  }
0x75: {  	[sflag:s12] =	ssyncset.done $0x0  }
0x76: {  	[sflag:s12] =	ssyncadd.s32 $0xFFFFE000  }
0x77: {  	_ =	swait.ge [sflag:s23], $0x2000  }
0x78: {  	[sflag:s23] =	ssyncset.done $0x0  }
0x79: {  	[sflag:s23] =	ssyncadd.s32 $0xFFFFE000  }
0x7a: {  	[spmem:s2] =	stream.indirect.scatter.add.f32 [tilespmem:s18], [sflag:$0x5], $0x40, s28, s14, $0xb8;
	[tilespmem:$0x1C000] =	vst v63  }
0x7b: {  	_ =	swait.ge [sflag:s12], $0x2000  }
0x7c: {  	[sflag:s12] =	ssyncset.done $0x0  }
0x7d: {  	[sflag:s12] =	ssyncadd.s32 $0xFFFFE000  }
0x7e: {  	_ =	swait.ge [sflag:s24], $0x2000  }
0x7f: {  	[sflag:s24] =	ssyncset.done $0x0  }
0x80: {  	[sflag:s24] =	ssyncadd.s32 $0xFFFFE000  }
0x81: {  	[spmem:s2] =	stream.indirect.scatter.add.f32 [tilespmem:s20], [sflag:$0x5], $0x40, s29, s14, $0xb8;
	[tilespmem:$0x1C000] =	vst v63  }
0x82: {  	_ =	swait.ge [sflag:s12], $0x2000  }
0x83: {  	s30 =	sadd.s32 $0x1, s30;
	[sflag:s12] =	ssyncset.done $0x0  }
0x84: {  	p0 =	sne.s32 s30, s10;
	[sflag:s12] =	ssyncadd.s32 $0xFFFFE000  }
.Ltmp1:
0x85: {  	[bflag:$0x0] =	sbarrier.arrive $0xFFFF;
	(pc) =	sbr.rel @p0 .LBB2_1-.Ltmp1, $4  }
0x86: {  	[hbm:s9], [sflag:s6] =	dma.local [spmem:s11], $0x1400  }
0x87: {  	_ =	swait.ge [sflag:s12], $0x1400  }
0x88: {  	[sflag:s12] =	ssyncset.done $0x0  }
0x89: {  	[sflag:s12] =	ssyncadd.s32 $0xFFFFEC00  }
0x8a: {  	_ =	sfence.sel $0x180000  }
0x8b: {  	[bflag:$0x0] =	sbarrier.arrive $0xFFFF  }
0x8c: {  	_ =	strace $0x9000004A  }
0x8d: {  	s0 =	stileid.u32;
	[bflag:$0x2] =	sbarrier.arrive $0xFFFF  }
0x8e: {  	p0 =	sne.s32 s0, $0x0;
	s0 =	rddreg [dreg:$0x3]  }
0x8f: {  	s0 =	sadd.s32 @!p0 $0x100000, s0  }
0x90: {  	[sflag:s0] =	ssyncadd.tile.s32 @!p0 $0x1;
	_ =	shalt  }
.Lfunc_end2:
_tile_overlayer_lowered:
.L_overlay_start_2:
0x91: {  	(tag) =	ssettag $0x2  }
0x92: {  	s0 =	rddreg [dreg:$0x0];
	s2 =	stileid.u32  }
0x93: {  	s1 =	rddreg [dreg:$0x1];
	p0 =	sne.s32 s2, $0x0  }
0x94: {  	s3 =	rddreg [dreg:$0x2];
	[bflag:$0x3] =	sbarrier.arrive $0xFFFF;
	s2 =	simm.s32 @!p0 $0x1C05  }
0x95: {  	[timem:s3], [sflag:s2] =	dma.local @!p0 [hbm:s0], s1  }
0x96: {  	s0 =	simm.s32 @!p0 $0x5  }
0x97: {  	_ =	swait.ge @!p0 [sflag:s0], s1  }
0x98: {  	s1 =	ssub.s32 @!p0 $0x0, s1;
	[sflag:s0] =	ssyncset.done @!p0 $0x0  }
0x99: {  	[sflag:s0] =	ssyncadd.s32 @!p0 s1  }
0x9a: {  	[bflag:$0x3] =	sbarrier.arrive $0xFFFF  }
0x9b: {  	_ =	shalt  }

// kernel: kernel.14.cloned.1.call-start
scs
__scs_entry_jumppad:
0x0: {  	(pc) =	sbr.rel $0x88, $3  }
0x1: {  	(tag) =	ssettag $0x0;
	lr =	simm.s32 $0x1  }
0x2: {  	[smem:$0x3F9B] =	sst lr;
	_ =	strace $0xD0000000  }
0x3: {  	_ = 	snop  }
0x4: {  	_ = 	snop  }
0x5: {  	_ = 	snop  }
0x6: {  	_ = 	snop  }
0x7: {  	_ = 	snop  }
__scs_overlays_trampoline_lowered:
0x8: {  	[smem:$0x3FAA] =	sst s0  }
0x9: {  	[smem:$0x3FAB] =	sst s1  }
0xa: {  	[smem:$0x3FAC] =	sst s2  }
0xb: {  	[smem:$0x3FAD] =	sst s3  }
0xc: {  	[smem:$0x3FAE] =	sst s4  }
0xd: {  	[smem:$0x3FAF] =	sst s5  }
0xe: {  	[smem:$0x3FB0] =	sst s6  }
0xf: {  	[smem:$0x3FB1] =	sst s7  }
0x10: {  	[smem:$0x3FB2] =	sst s8  }
0x11: {  	[smem:$0x3FB3] =	sst s9;
	s0 =	simm.s32 @!p0 $0x0  }
0x12: {  	s1 =	sld [smem:$0x3F99];
	s0 =	simm.s32 @p0 $0x1  }
0x13: {  	[smem:$0x3FB4] =	sst s0;
	s0 =	simm.s32 @!p1 $0x0  }
0x14: {  	s2 =	sld [smem:$0x3F98];
	s0 =	simm.s32 @p1 $0x1  }
0x15: {  	[smem:$0x3FB5] =	sst s0;
	s0 =	simm.s32 @!p2 $0x0  }
0x16: {  	s3 =	sld [smem:$0x3FDB];
	s0 =	simm.s32 @p2 $0x1  }
0x17: {  	s4 =	simm.s32 $0x1BF5;
	[smem:$0x3FB7] =	sst s0  }
0x18: {  	s0 =	sld [smem:$0x3F9A];
	_ =	swait.ge [sflag:s4], $0x0  }
0x19: {  	s7 =	sld [smem:$0x3F9B]  }
0x1a: {  	s8 =	sadd.s32 $0xFFFFE003, lr  }
0x1b: {  	s9 =	sadd.s32 $0xFFFFFEF7, lr;
	s5 =	simm.s32 $0xFFFFFFFF;
	p2 =	slt.u32 s8, $0xFFFFF086  }
0x1c: {  	p1 =	slt.u32 s9, $0xF7A;
	s5 =	simm.s32 @!p2 $0x0  }
0x1d: {  	s5 =	simm.s32 @p1 $0x1;
	p0 =	seq.s32 s7, s2  }
0x1e: {  	s7 =	smul.u32 @!p0 $0xF7A, s2;
	p2 =	seq.s32 @!p0 s5, $0x0  }
0x1f: {  	s9 =	smul.u32 $0xF7A, s1;
	s8 =	simm.s32 @!p0 $0x1BF5;
	p2 =	por !p2, p0  }
0x20: {  	[sflag:s8] =	ssyncset.s32 @!p0 $0xFFFFF086;
	s6 =	sadd.s32 @!p0 s3, s7;
	s7 =	simm.s32 @!p0 $0x108  }
0x21: {  	s3 =	sadd.s32 s3, s9;
	s6 =	sadd.s32 @!p0 $0x88, s6;
	s7 =	simm.s32 @p2 $0x1082  }
0x22: {  	[simem:s7], [sflag:s8] =	dma.local @!p0 [hbm:s6], $0xF7A  }
0x23: {  	s9 =	sor.u32 $0xD0000000, s2;
	s6 =	simm.s32 $0x108;
	_ =	swait.ge @!p0 [sflag:s8], $0x0  }
0x24: {  	s3 =	sadd.s32 $0x88, s3;
	s6 =	simm.s32 @!p1 $0x1082;
	[sflag:s4] =	ssyncset.s32 $0xFFFFF086  }
0x25: {  	[simem:s6], [sflag:s4] =	dma.local [hbm:s3], $0xF7A  }
0x26: {  	[smem:$0x3F9B] =	sst s1;
	(tag) =	ssettag s2;
	_ =	strace s9  }
0x27: {  	s1 =	sld [smem:$0x3FAB]  }
0x28: {  	s2 =	sld [smem:$0x3FAC]  }
0x29: {  	s4 =	sld [smem:$0x3FAE]  }
0x2a: {  	p0 =	seq.s32 s5, $0x0;
	s5 =	sld [smem:$0x3FAF]  }
0x2b: {  	s6 =	sld [smem:$0x3FB0]  }
0x2c: {  	s7 =	sld [smem:$0x3FB1]  }
0x2d: {  	s3 =	simm.s32 $0x108;
	s8 =	sld [smem:$0x3FB2]  }
0x2e: {  	s3 =	simm.s32 @!p0 $0x1082;
	s9 =	sld [smem:$0x3FB3]  }
0x2f: {  	lr =	sadd.s32 s0, s3;
	s0 =	sld [smem:$0x3FAA]  }
0x30: {  	s3 =	sld [smem:$0x3FAD]  }
0x31: {  	[smem:$0x3FB6] =	sst s10  }
0x32: {  	s10 =	sld [smem:$0x3FB4];
	_ =	sdelay $0x3  }
0x33: {  	p0 =	seq.s32 s10, $0x1;
	s10 =	sld [smem:$0x3FB6];
	_ =	sdelay $0x3  }
0x34: {  	[smem:$0x3FB6] =	sst s10  }
0x35: {  	s10 =	sld [smem:$0x3FB5];
	_ =	sdelay $0x3  }
0x36: {  	p1 =	seq.s32 s10, $0x1;
	s10 =	sld [smem:$0x3FB6];
	_ =	sdelay $0x3  }
0x37: {  	[smem:$0x3FB6] =	sst s10  }
0x38: {  	s10 =	sld [smem:$0x3FB7]  }
0x39: {  	_ = 	snop;
	(pc) =	sbr.ind lr, $3  }
0x3a: {  	_ = 	snop  }
0x3b: {  	_ = 	snop  }
0x3c: {  	p2 =	seq.s32 s10, $0x1;
	s10 =	sld [smem:$0x3FB6]  }
0x3d: {  	_ =	shalt  }
0x3e: {  	_ =	shalt  }
0x3f: {  	_ =	shalt  }
0x40: {  	_ =	shalt  }
0x41: {  	_ =	shalt  }
0x42: {  	_ =	shalt  }
0x43: {  	_ =	shalt  }
0x44: {  	_ =	shalt  }
0x45: {  	_ =	shalt  }
0x46: {  	_ =	shalt  }
0x47: {  	_ =	shalt  }
0x48: {  	_ =	shalt  }
0x49: {  	_ =	shalt  }
0x4a: {  	_ =	shalt  }
0x4b: {  	_ =	shalt  }
0x4c: {  	_ =	shalt  }
0x4d: {  	_ =	shalt  }
0x4e: {  	_ =	shalt  }
0x4f: {  	_ =	shalt  }
0x50: {  	_ =	shalt  }
0x51: {  	_ =	shalt  }
0x52: {  	_ =	shalt  }
0x53: {  	_ =	shalt  }
0x54: {  	_ =	shalt  }
0x55: {  	_ =	shalt  }
0x56: {  	_ =	shalt  }
0x57: {  	_ =	shalt  }
0x58: {  	_ =	shalt  }
0x59: {  	_ =	shalt  }
0x5a: {  	_ =	shalt  }
0x5b: {  	_ =	shalt  }
0x5c: {  	_ =	shalt  }
0x5d: {  	_ =	shalt  }
0x5e: {  	_ =	shalt  }
0x5f: {  	_ =	shalt  }
0x60: {  	_ =	shalt  }
0x61: {  	_ =	shalt  }
0x62: {  	_ =	shalt  }
0x63: {  	_ =	shalt  }
0x64: {  	_ =	shalt  }
0x65: {  	_ =	shalt  }
0x66: {  	_ =	shalt  }
0x67: {  	_ =	shalt  }
0x68: {  	_ =	shalt  }
0x69: {  	_ =	shalt  }
0x6a: {  	_ =	shalt  }
0x6b: {  	_ =	shalt  }
0x6c: {  	_ =	shalt  }
0x6d: {  	_ =	shalt  }
0x6e: {  	_ =	shalt  }
0x6f: {  	_ =	shalt  }
0x70: {  	_ =	shalt  }
0x71: {  	_ =	shalt  }
0x72: {  	_ =	shalt  }
0x73: {  	_ =	shalt  }
0x74: {  	_ =	shalt  }
0x75: {  	_ =	shalt  }
0x76: {  	_ =	shalt  }
0x77: {  	_ =	shalt  }
0x78: {  	_ =	shalt  }
0x79: {  	_ =	shalt  }
0x7a: {  	_ =	shalt  }
0x7b: {  	_ =	shalt  }
0x7c: {  	_ =	shalt  }
0x7d: {  	_ =	shalt  }
0x7e: {  	_ =	shalt  }
0x7f: {  	_ =	shalt  }
0x80: {  	_ =	shalt  }
0x81: {  	_ =	shalt  }
0x82: {  	_ =	shalt  }
0x83: {  	_ =	shalt  }
0x84: {  	_ =	shalt  }
0x85: {  	_ =	shalt  }
0x86: {  	_ =	shalt  }
0x87: {  	_ =	shalt  }
.Lfunc_end0:
.L_simem_size_0:
called_computation.2_lowered:
.L_overlay_start_0:
0x88: {  	s2 =	sld [smem:$0x3FD9]  }
0x89: {  	s3 =	sld [smem:$0x3FFE];
	_ =	sdelay $0x1  }
0x8a: {  	s1 =	srdreg.scid  }
0x8b: {  	s0 =	sand.u32 $0x1, s1  }
0x8c: {  	s17 =	sshll.u32 s0, $0xA;
	s2 =	sadd.s32 s3, s2  }
0x8d: {  	s2 =	sadd.s32 s2, s17  }
0x8e: {  	[smem:$0x3FC2] =	sst s2  }
0x8f: {  	_ = 	snop  }
0x90: {  	s2 =	sld [smem:$0x3FD0];
	(tm) =	ssettm $0x1  }
0x91: {  	s18 =	sld [smem:$0x3FFB];
	_ =	sdelay $0x3  }
0x92: {  	_ =	strace s18  }
0x93: {  	s3 =	sld [smem:$0x3FFC];
	_ =	sdelay $0x3  }
0x94: {  	_ =	strace s3  }
0x95: {  	s3 =	sld [smem:$0x3FFD];
	_ =	sdelay $0x3  }
0x96: {  	_ =	strace s3  }
0x97: {  	_ =	strace $0x8FFFFFFF  }
0x98: {  	s19 =	sld [smem:$0x3FDB];
	_ =	sdelay $0x1  }
0x99: {  	s4 =	simm.s32 $_scs_section_size  }
0x9a: {  	s5 =	simm.s32 $_size__tile_overlayer_lowered;
	s6 =	simm.s32 $_tile_overlayer_lowered  }
0x9b: {  	s22 =	simm.s32 $0x1BFF;
	s21 =	sshll.u32 s6, $0x1;
	s3 =	sadd.s32 s4, s19  }
0x9c: {  	s7 =	simm.s32 $0x0;
	s20 =	sshll.u32 s5, $0x1;
	s5 =	sadd.s32 s21, s3  }
0x9d: {  	[timem:s7], [sflag:s22] =	dma.local [hbm:s5], s20  }
0x9e: {  	_ =	swait.ge [sflag:s22], s20  }
0x9f: {  	s4 =	ssub.s32 $0x0, s20;
	[sflag:s22] =	ssyncset.done $0x0  }
0xa0: {  	[sflag:s22] =	ssyncadd.s32 s4;
	_ =	sdelay $0x1  }
0xa1: {  	s23 =	simm.s32 $0x1B8B  }
0xa2: {  	_ =	swait.ge [sflag:s23], $0x1  }
0xa3: {  	[sflag:s23] =	ssyncset.done $0x0  }
0xa4: {  	s25 =	simm.s32 $0x1B8E;
	s24 =	sld [smem:$0x3FFE];
	[sflag:s23] =	ssyncadd.s32 $0xFFFFFFFF  }
0xa5: {  	s26 =	simm.s32 $execute0_lowered;
	[smem:$0x3FD2] =	sst s25  }
0xa6: {  	s5 =	sshll.u32 s26, $0x1;
	_ =	strace $0x8000004C;
	[dreg:$0x1] =	wrdreg $0xFFFFFFFF  }
0xa7: {  	s28 =	simm.s32 $_size_execute0_lowered;
	s3 =	sadd.s32 s3, s5;
	[dreg:$0x0] =	wrdreg $0x0  }
0xa8: {  	s5 =	sshll.u32 s28, $0x1;
	[dreg:$0x2] =	wrdreg s3  }
0xa9: {  	[dreg:$0x3] =	wrdreg s5  }
0xaa: {  	[dreg:$0x4] =	wrdreg $0xC0  }
0xab: {  	_ =	task [dreg:s7], $0x5FFFF  }
0xac: {  	[dreg:$0x1] =	wrdreg $0xFFFFFFFF  }
0xad: {  	[dreg:$0x0] =	wrdreg $0x60  }
0xae: {  	[dreg:$0x2] =	wrdreg s24  }
0xaf: {  	[dreg:$0x3] =	wrdreg s2  }
0xb0: {  	[dreg:$0x4] =	wrdreg $0x120000  }
0xb1: {  	[dreg:$0x5] =	wrdreg $0x9  }
0xb2: {  	_ =	task.clear_ibuf [dreg:s7], $0x6FFFF;
	_ =	strace $0x9000004C  }
0xb3: {  	s29 =	simm.s32 $0x9;
	_ =	strace $0x8000004E  }
0xb4: {  	_ =	swait.ge [sflag:s29], $0x1  }
0xb5: {  	[sflag:s29] =	ssyncadd.s32 $0xFFFFFFFF  }
0xb6: {  	_ =	strace $0x9000004E  }
0xb7: {  	_ =	sfence  }
0xb8: {  	s30 =	sld [smem:$0x0];
	_ =	sdelay $0x2  }
0xb9: {  	s31 =	sshll.u32 s1, $0xD;
	s1 =	sshrl.u32 s1, $0x2  }
0xba: {  	s3 =	sand.u32 $0x4000, s31;
	s1 =	sadd.s32 s1, s30  }
0xbb: {  	s0 =	sor.u32 s3, s0;
	s1 =	sshll.u32 s1, $0x11  }
0xbc: {  	s0 =	sor.u32 s1, s0  }
0xbd: {  	s0 =	sadd.s32 $0x8F2B, s0  }
0xbe: {  	[sflag:s0] =	ssyncadd.remote.s32 $0x1  }
0xbf: {  	_ =	sfence.sel $0xFFFF  }
0xc0: {  	[dreg:$0x0] =	wrdreg $0xFFFFFFFF;
	(pc) =	sbr.abs _section_cstart, $3  }
0xc1: {  	[dreg:$0x1] =	wrdreg $0xFFFFFFFF  }
0xc2: {  	_ =	task.clear_ibuf [dreg:s7], $0x2FFFF;
	_ =	strace $0x9FFFFFFF  }
0xc3: {  	(tm) =	ssettm $0x7FFFFFFF  }
tec
execute0_lowered:
.L_overlay_start_1:
0x0: {  	(tag) =	ssettag $0x1  }
0x1: {  	s0 =	rddreg [dreg:$0x0]  }
0x2: {  	s7 =	rddreg [dreg:$0x1]  }
0x3: {  	s2 =	rddreg [dreg:$0x2]  }
0x4: {  	s1 =	stileid.u32;
	s4 =	srdreg.scid;
	s3 =	simm.s32 $0x0  }
0x5: {  	s14 =	simm.s32 $0x80;
	s15 =	simm.s32 $0xA000;
	s16 =	simm.s32 $0xC000  }
0x6: {  	s17 =	simm.s32 $0x100;
	s18 =	simm.s32 $0xE000;
	s19 =	simm.s32 $0x180  }
0x7: {  	s20 =	simm.s32 $0x10000;
	s21 =	simm.s32 $0x1;
	s22 =	simm.s32 $0x2  }
0x8: {  	s23 =	simm.s32 $0x3;
	s24 =	simm.s32 $0x4;
	s28 =	simm.s32 $0x9F00  }
0x9: {  	s29 =	simm.s32 $0x9F80;
	s30 =	simm.s32 $0x0;
	s6 =	smul.u32 $0x5000, s1  }
0xa: {  	s5 =	sand.u32 $0x1, s4;
	s8 =	smul.u32 $0xA000, s1;
	[smem:$0x7FF] =	sst s3  }
0xb: {  	s4 =	sadd.s32 $0x60C00, s0;
	s31 =	sshll.u32 s1, $0x6;
	s10 =	smul.u32 $0xA0000, s5  }
0xc: {  	_ =	strace $0x8000004D;
	s11 =	ssub.s32 $0x2, s5;
	s12 =	smul.u32 $0x50000, s5  }
0xd: {  	s5 =	sadd.s32 $0xB600, s0;
	s9 =	sshrl.u32 s6, $0x3;
	s13 =	sshrl.u32 s11, $0x1  }
0xe: {  	s26 =	sadd.s32 s8, s2;
	s9 =	sadd.s32 s9, s0;
	s10 =	sadd.s32 s8, s10  }
0xf: {  	s25 =	ssub.s32 s11, s13;
	s6 =	sadd.s32 s6, s12;
	s11 =	sshrl.u32 s26, $0x3  }
0x10: {  	s13 =	simm.s32 $0x5000;
	s26 =	simm.s32 $0x9E80;
	s10 =	sshrl.u32 s10, $0x3  }
0x11: {  	s12 =	sshrl.u32 s6, $0x3;
	s6 =	sor.u32 $0x1C05, s31;
	s8 =	sadd.s32 $0x1600, s9  }
0x12: {  	s0 =	sadd.s32 s10, s0;
	s7 =	sadd.s32 s7, s12;
	s10 =	smax.u32 s25, $0x1  }
0x13: {  	s12 =	simm.s32 $0x5;
	s25 =	simm.s32 $0x9E00;
	s9 =	sadd.s32 $0x88C00, s0  }
.LBB2_1:
0x14: {  	[spmem:s11], [sflag:s6] =	dma.local [hbm:s5], $0x1400  }
0x15: {  	_ =	swait.ge [sflag:s12], $0x1400  }
0x16: {  	[sflag:s12] =	ssyncset.done $0x0  }
0x17: {  	[sflag:s12] =	ssyncadd.s32 $0xFFFFEC00  }
0x18: {  	[tilespmem:s3], [sflag:$0x5] =	stream.linear.gather [hbm4b:s7+s3], $0x5000, $0x38;
	[tilespmem:$0x1C000] =	vst v63  }
0x19: {  	_ =	swait.ge [sflag:s12], $0x5000  }
0x1a: {  	[sflag:s12] =	ssyncset.done $0x0  }
0x1b: {  	[sflag:s12] =	ssyncadd.s32 $0xFFFFB000  }
0x1c: {  	[tilespmem:s13], [sflag:$0x5] =	stream.linear.gather [hbm4b:s8+s3], $0x5000, $0x38;
	[tilespmem:$0x1C000] =	vst v63  }
0x1d: {  	_ =	swait.ge [sflag:s12], $0x5000  }
0x1e: {  	[sflag:s12] =	ssyncset.done $0x0  }
0x1f: {  	[sflag:s12] =	ssyncadd.s32 $0xFFFFB000  }
0x20: {  	[tilespmem:s15], [sflag:$0x1] =	stream.indirect.gather [hbm4b:s4+s14], $0x40, s3, s14, $0xb8;
	[tilespmem:$0x1C000] =	vst v63  }
0x21: {  	_ = 	snop  }
0x22: {  	[tilespmem:s16], [sflag:$0x2] =	stream.indirect.gather [hbm4b:s4+s14], $0x40, s14, s14, $0xb8;
	[tilespmem:$0x1C000] =	vst v63  }
0x23: {  	_ = 	snop  }
0x24: {  	[tilespmem:s18], [sflag:$0x3] =	stream.indirect.gather [hbm4b:s4+s14], $0x40, s17, s14, $0xb8;
	[tilespmem:$0x1C000] =	vst v63  }
0x25: {  	_ = 	snop  }
0x26: {  	[tilespmem:s20], [sflag:$0x4] =	stream.indirect.gather [hbm4b:s4+s14], $0x40, s19, s14, $0xb8;
	[tilespmem:$0x1C000] =	vst v63  }
0x27: {  	[bflag:$0x0] =	sbarrier.arrive $0xFFFF  }
0x28: {  	_ =	swait.ge [sflag:s21], $0x2000  }
0x29: {  	[sflag:s21] =	ssyncset.done $0x0  }
0x2a: {  	s0 =	simm.s32 $0x5000;
	[sflag:s21] =	ssyncadd.s32 $0xFFFFE000  }
0x2b: {  	[spmem:s2] =	stream.indirect.scatter.add.f32 [tilespmem:s15], [sflag:$0x5], $0x40, s0, s14, $0xb8;
	[tilespmem:$0x1C000] =	vst v63  }
0x2c: {  	_ =	swait.ge [sflag:s12], $0x2000  }
0x2d: {  	[sflag:s12] =	ssyncset.done $0x0  }
0x2e: {  	s1 =	simm.s32 $0x200;
	[sflag:s12] =	ssyncadd.s32 $0xFFFFE000  }
0x2f: {  	[tilespmem:s15], [sflag:$0x1] =	stream.indirect.gather [hbm4b:s4+s14], $0x40, s1, s14, $0xb8;
	[tilespmem:$0x1C000] =	vst v63  }
0x30: {  	_ =	swait.ge [sflag:s22], $0x2000  }
0x31: {  	[sflag:s22] =	ssyncset.done $0x0  }
0x32: {  	s1 =	simm.s32 $0x5080;
	[sflag:s22] =	ssyncadd.s32 $0xFFFFE000  }
0x33: {  	[spmem:s2] =	stream.indirect.scatter.add.f32 [tilespmem:s16], [sflag:$0x5], $0x40, s1, s14, $0xb8;
	[tilespmem:$0x1C000] =	vst v63  }
0x34: {  	_ =	swait.ge [sflag:s12], $0x2000  }
0x35: {  	[sflag:s12] =	ssyncset.done $0x0  }
0x36: {  	s1 =	simm.s32 $0x280;
	[sflag:s12] =	ssyncadd.s32 $0xFFFFE000  }
0x37: {  	[tilespmem:s16], [sflag:$0x2] =	stream.indirect.gather [hbm4b:s4+s14], $0x40, s1, s14, $0xb8;
	[tilespmem:$0x1C000] =	vst v63  }
0x38: {  	_ =	swait.ge [sflag:s23], $0x2000  }
0x39: {  	[sflag:s23] =	ssyncset.done $0x0  }
0x3a: {  	s1 =	simm.s32 $0x5100;
	[sflag:s23] =	ssyncadd.s32 $0xFFFFE000  }
0x3b: {  	[spmem:s2] =	stream.indirect.scatter.add.f32 [tilespmem:s18], [sflag:$0x5], $0x40, s1, s14, $0xb8;
	[tilespmem:$0x1C000] =	vst v63  }
0x3c: {  	_ =	swait.ge [sflag:s12], $0x2000  }
0x3d: {  	[sflag:s12] =	ssyncset.done $0x0  }
0x3e: {  	s1 =	simm.s32 $0x300;
	[sflag:s12] =	ssyncadd.s32 $0xFFFFE000  }
0x3f: {  	[tilespmem:s18], [sflag:$0x3] =	stream.indirect.gather [hbm4b:s4+s14], $0x40, s1, s14, $0xb8;
	[tilespmem:$0x1C000] =	vst v63  }
0x40: {  	_ =	swait.ge [sflag:s24], $0x2000  }
0x41: {  	[sflag:s24] =	ssyncset.done $0x0  }
0x42: {  	s1 =	simm.s32 $0x5180;
	[sflag:s24] =	ssyncadd.s32 $0xFFFFE000  }
0x43: {  	[spmem:s2] =	stream.indirect.scatter.add.f32 [tilespmem:s20], [sflag:$0x5], $0x40, s1, s14, $0xb8;
	[tilespmem:$0x1C000] =	vst v63  }
0x44: {  	_ =	swait.ge [sflag:s12], $0x2000  }
0x45: {  	[sflag:s12] =	ssyncset.done $0x0  }
0x46: {  	s31 =	simm.s32 $0x800;
	s0 =	simm.s32 $0x380;
	[sflag:s12] =	ssyncadd.s32 $0xFFFFE000  }
.LBB2_2:
0x47: {  	[tilespmem:s20], [sflag:$0x4] =	stream.indirect.gather [hbm4b:s4+s14], $0x40, s0, s14, $0xb8;
	[tilespmem:$0x1C000] =	vst v63  }
0x48: {  	s0 =	smov.u32 s31  }
0x49: {  	p0 =	sne.s32 s31, $0x13000;
	s31 =	sadd.s32 $0x800, s31;
	_ =	swait.ge [sflag:s21], $0x2000  }
0x4a: {  	s0 =	sshra.s32 s0, $0x2;
	[sflag:s21] =	ssyncset.done $0x0  }
0x4b: {  	s1 =	sadd.s32 $0x5000, s0;
	[sflag:s21] =	ssyncadd.s32 $0xFFFFE000  }
0x4c: {  	[spmem:s2] =	stream.indirect.scatter.add.f32 [tilespmem:s15], [sflag:$0x5], $0x40, s1, s14, $0xb8;
	[tilespmem:$0x1C000] =	vst v63  }
0x4d: {  	_ =	swait.ge [sflag:s12], $0x2000  }
0x4e: {  	[sflag:s12] =	ssyncset.done $0x0  }
0x4f: {  	s1 =	sadd.s32 $0x200, s0;
	[sflag:s12] =	ssyncadd.s32 $0xFFFFE000  }
0x50: {  	[tilespmem:s15], [sflag:$0x1] =	stream.indirect.gather [hbm4b:s4+s14], $0x40, s1, s14, $0xb8;
	[tilespmem:$0x1C000] =	vst v63  }
0x51: {  	_ =	swait.ge [sflag:s22], $0x2000  }
0x52: {  	[sflag:s22] =	ssyncset.done $0x0  }
0x53: {  	s1 =	sadd.s32 $0x5080, s0;
	[sflag:s22] =	ssyncadd.s32 $0xFFFFE000  }
0x54: {  	[spmem:s2] =	stream.indirect.scatter.add.f32 [tilespmem:s16], [sflag:$0x5], $0x40, s1, s14, $0xb8;
	[tilespmem:$0x1C000] =	vst v63  }
0x55: {  	_ =	swait.ge [sflag:s12], $0x2000  }
0x56: {  	[sflag:s12] =	ssyncset.done $0x0  }
0x57: {  	s1 =	sadd.s32 $0x280, s0;
	[sflag:s12] =	ssyncadd.s32 $0xFFFFE000  }
0x58: {  	[tilespmem:s16], [sflag:$0x2] =	stream.indirect.gather [hbm4b:s4+s14], $0x40, s1, s14, $0xb8;
	[tilespmem:$0x1C000] =	vst v63  }
0x59: {  	_ =	swait.ge [sflag:s23], $0x2000  }
0x5a: {  	[sflag:s23] =	ssyncset.done $0x0  }
0x5b: {  	s1 =	sadd.s32 $0x5100, s0;
	[sflag:s23] =	ssyncadd.s32 $0xFFFFE000  }
0x5c: {  	[spmem:s2] =	stream.indirect.scatter.add.f32 [tilespmem:s18], [sflag:$0x5], $0x40, s1, s14, $0xb8;
	[tilespmem:$0x1C000] =	vst v63  }
0x5d: {  	_ =	swait.ge [sflag:s12], $0x2000  }
0x5e: {  	[sflag:s12] =	ssyncset.done $0x0  }
0x5f: {  	s1 =	sadd.s32 $0x300, s0;
	[sflag:s12] =	ssyncadd.s32 $0xFFFFE000  }
0x60: {  	[tilespmem:s18], [sflag:$0x3] =	stream.indirect.gather [hbm4b:s4+s14], $0x40, s1, s14, $0xb8;
	[tilespmem:$0x1C000] =	vst v63  }
0x61: {  	_ =	swait.ge [sflag:s24], $0x2000  }
0x62: {  	[sflag:s24] =	ssyncset.done $0x0  }
.Ltmp0:
0x63: {  	s1 =	sadd.s32 $0x5180, s0;
	[sflag:s24] =	ssyncadd.s32 $0xFFFFE000;
	(pc) =	sbr.rel @p0 .LBB2_2-.Ltmp0, $4  }
0x64: {  	[spmem:s2] =	stream.indirect.scatter.add.f32 [tilespmem:s20], [sflag:$0x5], $0x40, s1, s14, $0xb8;
	[tilespmem:$0x1C000] =	vst v63  }
0x65: {  	_ =	swait.ge [sflag:s12], $0x2000  }
0x66: {  	[sflag:s12] =	ssyncset.done $0x0  }
0x67: {  	s0 =	sadd.s32 $0x380, s0;
	[sflag:s12] =	ssyncadd.s32 $0xFFFFE000  }
0x68: {  	[tilespmem:s20], [sflag:$0x4] =	stream.indirect.gather [hbm4b:s4+s14], $0x40, s0, s14, $0xb8;
	[tilespmem:$0x1C000] =	vst v63  }
0x69: {  	_ =	swait.ge [sflag:s21], $0x2000  }
0x6a: {  	[sflag:s21] =	ssyncset.done $0x0  }
0x6b: {  	[sflag:s21] =	ssyncadd.s32 $0xFFFFE000  }
0x6c: {  	[spmem:s2] =	stream.indirect.scatter.add.f32 [tilespmem:s15], [sflag:$0x5], $0x40, s25, s14, $0xb8;
	[tilespmem:$0x1C000] =	vst v63  }
0x6d: {  	_ =	swait.ge [sflag:s12], $0x2000  }
0x6e: {  	[sflag:s12] =	ssyncset.done $0x0  }
0x6f: {  	[sflag:s12] =	ssyncadd.s32 $0xFFFFE000  }
0x70: {  	_ =	swait.ge [sflag:s22], $0x2000  }
0x71: {  	[sflag:s22] =	ssyncset.done $0x0  }
0x72: {  	[sflag:s22] =	ssyncadd.s32 $0xFFFFE000  }
0x73: {  	[spmem:s2] =	stream.indirect.scatter.add.f32 [tilespmem:s16], [sflag:$0x5], $0x40, s26, s14, $0xb8;
	[tilespmem:$0x1C000] =	vst v63  }
0x74: {  	_ =	swait.ge [sflag:s12], $0x2000  }
0x75: {  	[sflag:s12] =	ssyncset.done $0x0  }
0x76: {  	[sflag:s12] =	ssyncadd.s32 $0xFFFFE000  }
0x77: {  	_ =	swait.ge [sflag:s23], $0x2000  }
0x78: {  	[sflag:s23] =	ssyncset.done $0x0  }
0x79: {  	[sflag:s23] =	ssyncadd.s32 $0xFFFFE000  }
0x7a: {  	[spmem:s2] =	stream.indirect.scatter.add.f32 [tilespmem:s18], [sflag:$0x5], $0x40, s28, s14, $0xb8;
	[tilespmem:$0x1C000] =	vst v63  }
0x7b: {  	_ =	swait.ge [sflag:s12], $0x2000  }
0x7c: {  	[sflag:s12] =	ssyncset.done $0x0  }
0x7d: {  	[sflag:s12] =	ssyncadd.s32 $0xFFFFE000  }
0x7e: {  	_ =	swait.ge [sflag:s24], $0x2000  }
0x7f: {  	[sflag:s24] =	ssyncset.done $0x0  }
0x80: {  	[sflag:s24] =	ssyncadd.s32 $0xFFFFE000  }
0x81: {  	[spmem:s2] =	stream.indirect.scatter.add.f32 [tilespmem:s20], [sflag:$0x5], $0x40, s29, s14, $0xb8;
	[tilespmem:$0x1C000] =	vst v63  }
0x82: {  	_ =	swait.ge [sflag:s12], $0x2000  }
0x83: {  	s30 =	sadd.s32 $0x1, s30;
	[sflag:s12] =	ssyncset.done $0x0  }
0x84: {  	p0 =	sne.s32 s30, s10;
	[sflag:s12] =	ssyncadd.s32 $0xFFFFE000  }
.Ltmp1:
0x85: {  	[bflag:$0x0] =	sbarrier.arrive $0xFFFF;
	(pc) =	sbr.rel @p0 .LBB2_1-.Ltmp1, $4  }
0x86: {  	[hbm:s9], [sflag:s6] =	dma.local [spmem:s11], $0x1400  }
0x87: {  	_ =	swait.ge [sflag:s12], $0x1400  }
0x88: {  	[sflag:s12] =	ssyncset.done $0x0  }
0x89: {  	[sflag:s12] =	ssyncadd.s32 $0xFFFFEC00  }
0x8a: {  	_ =	sfence.sel $0x180000  }
0x8b: {  	[bflag:$0x0] =	sbarrier.arrive $0xFFFF  }
0x8c: {  	_ =	strace $0x9000004D  }
0x8d: {  	s0 =	stileid.u32;
	[bflag:$0x2] =	sbarrier.arrive $0xFFFF  }
0x8e: {  	p0 =	sne.s32 s0, $0x0;
	s0 =	rddreg [dreg:$0x3]  }
0x8f: {  	s0 =	sadd.s32 @!p0 $0x100000, s0  }
0x90: {  	[sflag:s0] =	ssyncadd.tile.s32 @!p0 $0x1;
	_ =	shalt  }
.Lfunc_end2:
_tile_overlayer_lowered:
.L_overlay_start_2:
0x91: {  	(tag) =	ssettag $0x2  }
0x92: {  	s0 =	rddreg [dreg:$0x0];
	s2 =	stileid.u32  }
0x93: {  	s1 =	rddreg [dreg:$0x1];
	p0 =	sne.s32 s2, $0x0  }
0x94: {  	s3 =	rddreg [dreg:$0x2];
	[bflag:$0x3] =	sbarrier.arrive $0xFFFF;
	s2 =	simm.s32 @!p0 $0x1C05  }
0x95: {  	[timem:s3], [sflag:s2] =	dma.local @!p0 [hbm:s0], s1  }
0x96: {  	s0 =	simm.s32 @!p0 $0x5  }
0x97: {  	_ =	swait.ge @!p0 [sflag:s0], s1  }
0x98: {  	s1 =	ssub.s32 @!p0 $0x0, s1;
	[sflag:s0] =	ssyncset.done @!p0 $0x0  }
0x99: {  	[sflag:s0] =	ssyncadd.s32 @!p0 s1  }
0x9a: {  	[bflag:$0x3] =	sbarrier.arrive $0xFFFF  }
0x9b: {  	_ =	shalt  }

// kernel: kernel.8.cloned.1.call-start
scs
__scs_entry_jumppad:
0x0: {  	(pc) =	sbr.rel $0x88, $3  }
0x1: {  	(tag) =	ssettag $0x0;
	lr =	simm.s32 $0x1  }
0x2: {  	[smem:$0x3F9B] =	sst lr;
	_ =	strace $0xD0000000  }
0x3: {  	_ = 	snop  }
0x4: {  	_ = 	snop  }
0x5: {  	_ = 	snop  }
0x6: {  	_ = 	snop  }
0x7: {  	_ = 	snop  }
__scs_overlays_trampoline_lowered:
0x8: {  	[smem:$0x3FAA] =	sst s0  }
0x9: {  	[smem:$0x3FAB] =	sst s1  }
0xa: {  	[smem:$0x3FAC] =	sst s2  }
0xb: {  	[smem:$0x3FAD] =	sst s3  }
0xc: {  	[smem:$0x3FAE] =	sst s4  }
0xd: {  	[smem:$0x3FAF] =	sst s5  }
0xe: {  	[smem:$0x3FB0] =	sst s6  }
0xf: {  	[smem:$0x3FB1] =	sst s7  }
0x10: {  	[smem:$0x3FB2] =	sst s8  }
0x11: {  	[smem:$0x3FB3] =	sst s9;
	s0 =	simm.s32 @!p0 $0x0  }
0x12: {  	s1 =	sld [smem:$0x3F99];
	s0 =	simm.s32 @p0 $0x1  }
0x13: {  	[smem:$0x3FB4] =	sst s0;
	s0 =	simm.s32 @!p1 $0x0  }
0x14: {  	s2 =	sld [smem:$0x3F98];
	s0 =	simm.s32 @p1 $0x1  }
0x15: {  	[smem:$0x3FB5] =	sst s0;
	s0 =	simm.s32 @!p2 $0x0  }
0x16: {  	s3 =	sld [smem:$0x3FDB];
	s0 =	simm.s32 @p2 $0x1  }
0x17: {  	s4 =	simm.s32 $0x1BF5;
	[smem:$0x3FB7] =	sst s0  }
0x18: {  	s0 =	sld [smem:$0x3F9A];
	_ =	swait.ge [sflag:s4], $0x0  }
0x19: {  	s7 =	sld [smem:$0x3F9B]  }
0x1a: {  	s8 =	sadd.s32 $0xFFFFE003, lr  }
0x1b: {  	s9 =	sadd.s32 $0xFFFFFEF7, lr;
	s5 =	simm.s32 $0xFFFFFFFF;
	p2 =	slt.u32 s8, $0xFFFFF086  }
0x1c: {  	p1 =	slt.u32 s9, $0xF7A;
	s5 =	simm.s32 @!p2 $0x0  }
0x1d: {  	s5 =	simm.s32 @p1 $0x1;
	p0 =	seq.s32 s7, s2  }
0x1e: {  	s7 =	smul.u32 @!p0 $0xF7A, s2;
	p2 =	seq.s32 @!p0 s5, $0x0  }
0x1f: {  	s9 =	smul.u32 $0xF7A, s1;
	s8 =	simm.s32 @!p0 $0x1BF5;
	p2 =	por !p2, p0  }
0x20: {  	[sflag:s8] =	ssyncset.s32 @!p0 $0xFFFFF086;
	s6 =	sadd.s32 @!p0 s3, s7;
	s7 =	simm.s32 @!p0 $0x108  }
0x21: {  	s3 =	sadd.s32 s3, s9;
	s6 =	sadd.s32 @!p0 $0x88, s6;
	s7 =	simm.s32 @p2 $0x1082  }
0x22: {  	[simem:s7], [sflag:s8] =	dma.local @!p0 [hbm:s6], $0xF7A  }
0x23: {  	s9 =	sor.u32 $0xD0000000, s2;
	s6 =	simm.s32 $0x108;
	_ =	swait.ge @!p0 [sflag:s8], $0x0  }
0x24: {  	s3 =	sadd.s32 $0x88, s3;
	s6 =	simm.s32 @!p1 $0x1082;
	[sflag:s4] =	ssyncset.s32 $0xFFFFF086  }
0x25: {  	[simem:s6], [sflag:s4] =	dma.local [hbm:s3], $0xF7A  }
0x26: {  	[smem:$0x3F9B] =	sst s1;
	(tag) =	ssettag s2;
	_ =	strace s9  }
0x27: {  	s1 =	sld [smem:$0x3FAB]  }
0x28: {  	s2 =	sld [smem:$0x3FAC]  }
0x29: {  	s4 =	sld [smem:$0x3FAE]  }
0x2a: {  	p0 =	seq.s32 s5, $0x0;
	s5 =	sld [smem:$0x3FAF]  }
0x2b: {  	s6 =	sld [smem:$0x3FB0]  }
0x2c: {  	s7 =	sld [smem:$0x3FB1]  }
0x2d: {  	s3 =	simm.s32 $0x108;
	s8 =	sld [smem:$0x3FB2]  }
0x2e: {  	s3 =	simm.s32 @!p0 $0x1082;
	s9 =	sld [smem:$0x3FB3]  }
0x2f: {  	lr =	sadd.s32 s0, s3;
	s0 =	sld [smem:$0x3FAA]  }
0x30: {  	s3 =	sld [smem:$0x3FAD]  }
0x31: {  	[smem:$0x3FB6] =	sst s10  }
0x32: {  	s10 =	sld [smem:$0x3FB4];
	_ =	sdelay $0x3  }
0x33: {  	p0 =	seq.s32 s10, $0x1;
	s10 =	sld [smem:$0x3FB6];
	_ =	sdelay $0x3  }
0x34: {  	[smem:$0x3FB6] =	sst s10  }
0x35: {  	s10 =	sld [smem:$0x3FB5];
	_ =	sdelay $0x3  }
0x36: {  	p1 =	seq.s32 s10, $0x1;
	s10 =	sld [smem:$0x3FB6];
	_ =	sdelay $0x3  }
0x37: {  	[smem:$0x3FB6] =	sst s10  }
0x38: {  	s10 =	sld [smem:$0x3FB7]  }
0x39: {  	_ = 	snop;
	(pc) =	sbr.ind lr, $3  }
0x3a: {  	_ = 	snop  }
0x3b: {  	_ = 	snop  }
0x3c: {  	p2 =	seq.s32 s10, $0x1;
	s10 =	sld [smem:$0x3FB6]  }
0x3d: {  	_ =	shalt  }
0x3e: {  	_ =	shalt  }
0x3f: {  	_ =	shalt  }
0x40: {  	_ =	shalt  }
0x41: {  	_ =	shalt  }
0x42: {  	_ =	shalt  }
0x43: {  	_ =	shalt  }
0x44: {  	_ =	shalt  }
0x45: {  	_ =	shalt  }
0x46: {  	_ =	shalt  }
0x47: {  	_ =	shalt  }
0x48: {  	_ =	shalt  }
0x49: {  	_ =	shalt  }
0x4a: {  	_ =	shalt  }
0x4b: {  	_ =	shalt  }
0x4c: {  	_ =	shalt  }
0x4d: {  	_ =	shalt  }
0x4e: {  	_ =	shalt  }
0x4f: {  	_ =	shalt  }
0x50: {  	_ =	shalt  }
0x51: {  	_ =	shalt  }
0x52: {  	_ =	shalt  }
0x53: {  	_ =	shalt  }
0x54: {  	_ =	shalt  }
0x55: {  	_ =	shalt  }
0x56: {  	_ =	shalt  }
0x57: {  	_ =	shalt  }
0x58: {  	_ =	shalt  }
0x59: {  	_ =	shalt  }
0x5a: {  	_ =	shalt  }
0x5b: {  	_ =	shalt  }
0x5c: {  	_ =	shalt  }
0x5d: {  	_ =	shalt  }
0x5e: {  	_ =	shalt  }
0x5f: {  	_ =	shalt  }
0x60: {  	_ =	shalt  }
0x61: {  	_ =	shalt  }
0x62: {  	_ =	shalt  }
0x63: {  	_ =	shalt  }
0x64: {  	_ =	shalt  }
0x65: {  	_ =	shalt  }
0x66: {  	_ =	shalt  }
0x67: {  	_ =	shalt  }
0x68: {  	_ =	shalt  }
0x69: {  	_ =	shalt  }
0x6a: {  	_ =	shalt  }
0x6b: {  	_ =	shalt  }
0x6c: {  	_ =	shalt  }
0x6d: {  	_ =	shalt  }
0x6e: {  	_ =	shalt  }
0x6f: {  	_ =	shalt  }
0x70: {  	_ =	shalt  }
0x71: {  	_ =	shalt  }
0x72: {  	_ =	shalt  }
0x73: {  	_ =	shalt  }
0x74: {  	_ =	shalt  }
0x75: {  	_ =	shalt  }
0x76: {  	_ =	shalt  }
0x77: {  	_ =	shalt  }
0x78: {  	_ =	shalt  }
0x79: {  	_ =	shalt  }
0x7a: {  	_ =	shalt  }
0x7b: {  	_ =	shalt  }
0x7c: {  	_ =	shalt  }
0x7d: {  	_ =	shalt  }
0x7e: {  	_ =	shalt  }
0x7f: {  	_ =	shalt  }
0x80: {  	_ =	shalt  }
0x81: {  	_ =	shalt  }
0x82: {  	_ =	shalt  }
0x83: {  	_ =	shalt  }
0x84: {  	_ =	shalt  }
0x85: {  	_ =	shalt  }
0x86: {  	_ =	shalt  }
0x87: {  	_ =	shalt  }
.Lfunc_end0:
.L_simem_size_0:
called_computation_lowered:
.L_overlay_start_0:
0x88: {  	s2 =	sld [smem:$0x3FD9]  }
0x89: {  	s3 =	sld [smem:$0x3FFE];
	_ =	sdelay $0x1  }
0x8a: {  	s1 =	srdreg.scid  }
0x8b: {  	s0 =	sand.u32 $0x1, s1  }
0x8c: {  	s16 =	sshll.u32 s0, $0xA;
	s2 =	sadd.s32 s3, s2  }
0x8d: {  	s2 =	sadd.s32 s2, s16  }
0x8e: {  	[smem:$0x3FC2] =	sst s2  }
0x8f: {  	_ = 	snop  }
0x90: {  	(tm) =	ssettm $0x1  }
0x91: {  	s17 =	sld [smem:$0x3FFB];
	_ =	sdelay $0x3  }
0x92: {  	_ =	strace s17  }
0x93: {  	s2 =	sld [smem:$0x3FFC];
	_ =	sdelay $0x3  }
0x94: {  	_ =	strace s2  }
0x95: {  	s2 =	sld [smem:$0x3FFD];
	_ =	sdelay $0x3  }
0x96: {  	_ =	strace s2  }
0x97: {  	_ =	strace $0x8FFFFFFF  }
0x98: {  	s18 =	sld [smem:$0x3FDB];
	_ =	sdelay $0x1  }
0x99: {  	s19 =	simm.s32 $_scs_section_size  }
0x9a: {  	s4 =	simm.s32 $_size__tile_overlayer_lowered;
	s5 =	simm.s32 $_tile_overlayer_lowered  }
0x9b: {  	s22 =	simm.s32 $0x1BFF;
	s21 =	sshll.u32 s5, $0x1;
	s2 =	sadd.s32 s19, s18  }
0x9c: {  	s6 =	simm.s32 $0x0;
	s20 =	sshll.u32 s4, $0x1;
	s4 =	sadd.s32 s21, s2  }
0x9d: {  	[timem:s6], [sflag:s22] =	dma.local [hbm:s4], s20  }
0x9e: {  	_ =	swait.ge [sflag:s22], s20  }
0x9f: {  	s3 =	ssub.s32 $0x0, s20;
	[sflag:s22] =	ssyncset.done $0x0  }
0xa0: {  	[sflag:s22] =	ssyncadd.s32 s3;
	_ =	sdelay $0x1  }
0xa1: {  	s23 =	simm.s32 $0x1B8B  }
0xa2: {  	_ =	swait.ge [sflag:s23], $0x1  }
0xa3: {  	[sflag:s23] =	ssyncset.done $0x0  }
0xa4: {  	s25 =	simm.s32 $0x1B8E;
	s24 =	sld [smem:$0x3FFE];
	[sflag:s23] =	ssyncadd.s32 $0xFFFFFFFF  }
0xa5: {  	s26 =	simm.s32 $execute0_lowered;
	[smem:$0x3FD2] =	sst s25  }
0xa6: {  	s4 =	sshll.u32 s26, $0x1;
	_ =	strace $0x80000046;
	[dreg:$0x1] =	wrdreg $0xFFFFFFFF  }
0xa7: {  	s28 =	simm.s32 $_size_execute0_lowered;
	s2 =	sadd.s32 s2, s4;
	[dreg:$0x0] =	wrdreg $0x0  }
0xa8: {  	s4 =	sshll.u32 s28, $0x1;
	[dreg:$0x2] =	wrdreg s2  }
0xa9: {  	[dreg:$0x3] =	wrdreg s4  }
0xaa: {  	[dreg:$0x4] =	wrdreg $0xC0  }
0xab: {  	_ =	task [dreg:s6], $0x5FFFF  }
0xac: {  	[dreg:$0x1] =	wrdreg $0xFFFFFFFF  }
0xad: {  	[dreg:$0x0] =	wrdreg $0x60  }
0xae: {  	[dreg:$0x2] =	wrdreg s24  }
0xaf: {  	[dreg:$0x3] =	wrdreg $0x2C000  }
0xb0: {  	[dreg:$0x4] =	wrdreg $0x9  }
0xb1: {  	_ =	task.clear_ibuf [dreg:s6], $0x5FFFF;
	_ =	strace $0x90000046  }
0xb2: {  	s29 =	simm.s32 $0x9;
	_ =	strace $0x80000048  }
0xb3: {  	_ =	swait.ge [sflag:s29], $0x1  }
0xb4: {  	[sflag:s29] =	ssyncadd.s32 $0xFFFFFFFF  }
0xb5: {  	_ =	strace $0x90000048  }
0xb6: {  	_ =	sfence  }
0xb7: {  	s30 =	sld [smem:$0x0];
	_ =	sdelay $0x2  }
0xb8: {  	s31 =	sshll.u32 s1, $0xD;
	s1 =	sshrl.u32 s1, $0x2  }
0xb9: {  	s3 =	sand.u32 $0x4000, s31;
	s1 =	sadd.s32 s1, s30  }
0xba: {  	s0 =	sor.u32 s3, s0;
	s1 =	sshll.u32 s1, $0x11  }
0xbb: {  	s0 =	sor.u32 s1, s0  }
0xbc: {  	s0 =	sadd.s32 $0x8F2B, s0  }
0xbd: {  	[sflag:s0] =	ssyncadd.remote.s32 $0x1  }
0xbe: {  	_ =	sfence.sel $0xFFFF  }
0xbf: {  	[dreg:$0x0] =	wrdreg $0xFFFFFFFF;
	(pc) =	sbr.abs _section_cstart, $3  }
0xc0: {  	[dreg:$0x1] =	wrdreg $0xFFFFFFFF  }
0xc1: {  	_ =	task.clear_ibuf [dreg:s6], $0x2FFFF;
	_ =	strace $0x9FFFFFFF  }
0xc2: {  	(tm) =	ssettm $0x7FFFFFFF  }
0xc3: {  	_ =	shalt  }
tec
execute0_lowered:
.L_overlay_start_1:
0x0: {  	(tag) =	ssettag $0x1  }
0x1: {  	s6 =	rddreg [dreg:$0x0]  }
0x2: {  	s0 =	srdreg.scid;
	s2 =	rddreg [dreg:$0x1];
	s3 =	simm.s32 $0x0  }
0x3: {  	s12 =	simm.s32 $0x400;
	s5 =	sand.u32 $0x1, s0;
	s0 =	stileid.u32  }
0x4: {  	s13 =	simm.s32 $0x80;
	s14 =	simm.s32 $0x0;
	s7 =	smul.u32 $0x1400, s0  }
0x5: {  	[smem:$0x7FF] =	sst s3;
	s1 =	sshll.u32 s5, $0x4;
	s8 =	smul.u32 $0x14000, s5  }
0x6: {  	s10 =	ssub.s32 $0x2, s5;
	s5 =	sadd.s32 $0xB800, s6;
	s1 =	sor.u32 s0, s1  }
0x7: {  	s31 =	sshll.u32 s0, $0x6;
	s30 =	sshrl.u32 s10, $0x1;
	s4 =	smul.u32 $0x500, s1  }
0x8: {  	s1 =	rddreg [dreg:$0x2];
	_ =	strace $0x80000047;
	s8 =	sadd.s32 s7, s8  }
0x9: {  	s10 =	ssub.s32 s10, s30;
	s11 =	sadd.s32 s7, s2;
	s8 =	sshrl.u32 s8, $0x3  }
0xa: {  	s9 =	sadd.s32 s4, s6;
	s4 =	sadd.s32 $0xB600, s6;
	s8 =	sadd.s32 s8, s6  }
0xb: {  	s6 =	sor.u32 $0x1C01, s31;
	s7 =	sadd.s32 $0x1600, s9;
	s8 =	sadd.s32 $0xBC00, s8  }
0xc: {  	s9 =	smax.u32 s10, $0x1;
	s10 =	sshrl.u32 s11, $0x3;
	s11 =	simm.s32 $0x1  }
.LBB2_1:
0xd: {  	[spmem:s10], [sflag:s6] =	dma.local [hbm:s5], $0x280  }
0xe: {  	_ =	swait.ge [sflag:s11], $0x280  }
0xf: {  	[sflag:s11] =	ssyncset.done $0x0  }
0x10: {  	[sflag:s11] =	ssyncadd.s32 $0xFFFFFD80  }
0x11: {  	[tilespmem:s3], [sflag:$0x1] =	stream.linear.gather [hbm4b:s4+s3], $0x400, $0x38;
	[tilespmem:$0x4000] =	vst v63  }
0x12: {  	_ =	swait.ge [sflag:s11], $0x400  }
0x13: {  	[sflag:s11] =	ssyncset.done $0x0  }
0x14: {  	[sflag:s11] =	ssyncadd.s32 $0xFFFFFC00  }
0x15: {  	[tilespmem:s12], [sflag:$0x1] =	stream.linear.gather [hbm4b:s7+s3], $0x2800, $0x38;
	[tilespmem:$0x4000] =	vst v63  }
0x16: {  	_ =	swait.ge [sflag:s11], $0x2800  }
0x17: {  	[sflag:s11] =	ssyncset.done $0x0  }
0x18: {  	[sflag:s11] =	ssyncadd.s32 $0xFFFFD800  }
0x19: {  	s15 =	simm.s32 $0x400;
	[bflag:$0x0] =	sbarrier.arrive $0xFFFF  }
0x1a: {  	[spmem:s2] =	stream.indirect.scatter.add.f32 [tilespmem:s3], [sflag:$0x1], $0x8, s15, s13, $0xb8;
	[tilespmem:$0x4000] =	vst v63  }
0x1b: {  	s15 =	simm.s32 $0x200;
	_ =	swait.ge [sflag:s11], $0x400  }
.LBB2_2:
0x1c: {  	s16 =	sshra.s32 s15, $0x2;
	[sflag:s11] =	ssyncset.done $0x0;
	p0 =	sne.s32 s15, $0x9E00  }
.Ltmp0:
0x1d: {  	s16 =	sadd.s32 $0x400, s16;
	[sflag:s11] =	ssyncadd.s32 $0xFFFFFC00;
	(pc) =	sbr.rel @p0 .LBB2_2-.Ltmp0, $3  }
0x1e: {  	[spmem:s2] =	stream.indirect.scatter.add.f32 [tilespmem:s3], [sflag:$0x1], $0x8, s16, s13, $0xb8;
	[tilespmem:$0x4000] =	vst v63  }
0x1f: {  	s15 =	sadd.s32 $0x200, s15;
	_ =	sdelay $0x1  }
0x20: {  	_ =	swait.ge [sflag:s11], $0x400  }
0x21: {  	[sflag:s11] =	ssyncset.done $0x0;
	s14 =	sadd.s32 $0x1, s14  }
0x22: {  	[sflag:s11] =	ssyncadd.s32 $0xFFFFFC00;
	p0 =	sne.s32 s14, s9  }
.Ltmp1:
0x23: {  	[bflag:$0x0] =	sbarrier.arrive $0xFFFF;
	(pc) =	sbr.rel @p0 .LBB2_1-.Ltmp1, $4  }
0x24: {  	[hbm:s8], [sflag:s6] =	dma.local [spmem:s10], $0x280  }
0x25: {  	_ =	swait.ge [sflag:s11], $0x280  }
0x26: {  	[sflag:s11] =	ssyncset.done $0x0  }
0x27: {  	[sflag:s11] =	ssyncadd.s32 $0xFFFFFD80  }
0x28: {  	_ =	sfence.sel $0x180000  }
0x29: {  	[bflag:$0x0] =	sbarrier.arrive $0xFFFF  }
0x2a: {  	p0 =	sne.s32 s0, $0x0;
	_ =	strace $0x90000047  }
0x2b: {  	s0 =	sadd.s32 @!p0 $0x100000, s1;
	[bflag:$0x2] =	sbarrier.arrive $0xFFFF  }
0x2c: {  	[sflag:s0] =	ssyncadd.tile.s32 @!p0 $0x1;
	_ =	shalt  }
.Lfunc_end2:
_tile_overlayer_lowered:
.L_overlay_start_2:
0x2d: {  	(tag) =	ssettag $0x2  }
0x2e: {  	s0 =	rddreg [dreg:$0x0];
	s2 =	stileid.u32  }
0x2f: {  	s1 =	rddreg [dreg:$0x1];
	p0 =	sne.s32 s2, $0x0  }
0x30: {  	s3 =	rddreg [dreg:$0x2];
	[bflag:$0x3] =	sbarrier.arrive $0xFFFF;
	s2 =	simm.s32 @!p0 $0x1C01  }
0x31: {  	[timem:s3], [sflag:s2] =	dma.local @!p0 [hbm:s0], s1  }
0x32: {  	s0 =	simm.s32 @!p0 $0x1  }
0x33: {  	_ =	swait.ge @!p0 [sflag:s0], s1  }
0x34: {  	s1 =	ssub.s32 @!p0 $0x0, s1;
	[sflag:s0] =	ssyncset.done @!p0 $0x0  }
0x35: {  	[sflag:s0] =	ssyncadd.s32 @!p0 s1  }
0x36: {  	[bflag:$0x3] =	sbarrier.arrive $0xFFFF  }
0x37: {  	_ =	shalt  }

</sc_bundles>
